<compile_context>
chip_gen: v7x
topology: tpu7x:2x2x1
jax: 0.10.2.dev20260603
libtpu: 0.0.44.dev20260713+nightly
codegen_flags: <defaults>
</compile_context>

<pallas_src>
import functools

import jax
import jax.numpy as jnp
from jax import lax
from jax.experimental import pallas as pl
from jax.experimental.pallas import tpu as pltpu
from jax.experimental.pallas import tpu_sc as plsc

_NUM_CORES = 2
_NUM_SUBCORES = 16
_NW = _NUM_CORES * _NUM_SUBCORES

_CHUNK = 32
_NBUF = 8
_F = 3


def _make_gather(b: int, n: int, d: int, band_dtype, rho_dtype):
    total_rows = b * n
    rows_per_worker = total_rows // _NW
    n_chunks = rows_per_worker // _CHUNK
    workers_per_batch = n // rows_per_worker
    meta_per_worker = n // _NW
    assert n_chunks % _NBUF == 0 and workers_per_batch * rows_per_worker == n
    mesh = plsc.VectorSubcoreMesh(
        core_axis_name="c",
        subcore_axis_name="s",
        num_cores=_NUM_CORES,
        num_subcores=_NUM_SUBCORES,
    )

    @functools.partial(
        pl.kernel,
        mesh=mesh,
        out_type=(
            jax.ShapeDtypeStruct((b, n, d), jnp.float32),
            jax.ShapeDtypeStruct((n,), band_dtype),
            jax.ShapeDtypeStruct((n,), rho_dtype),
        ),
        scratch_types=[
            pltpu.VMEM((rows_per_worker,), jnp.int32),
            pltpu.VMEM((meta_per_worker,), band_dtype),
            pltpu.VMEM((meta_per_worker,), rho_dtype),
            *[pltpu.VMEM((_CHUNK, d), jnp.float32) for _ in range(_NBUF)],
            *[pltpu.SemaphoreType.DMA for _ in range(2 * _NBUF)],
        ],
    )
    def gather(
        x_hbm,
        fo_hbm,
        band_hbm,
        rho_hbm,
        out_hbm,
        band_out,
        rho_out,
        idx_v,
        band_v,
        rho_v,
        *rest,
    ):
        bufs = rest[:_NBUF]
        gsem = rest[_NBUF : 2 * _NBUF]
        ssem = rest[2 * _NBUF :]
        wid = lax.axis_index("s") * _NUM_CORES + lax.axis_index("c")
        batch = wid // workers_per_batch
        row0 = (wid % workers_per_batch) * rows_per_worker

        def fire_gather(c, j):
            pltpu.async_copy(
                x_hbm.at[batch].at[idx_v.at[pl.ds(c * _CHUNK, _CHUNK)]],
                bufs[j],
                gsem[j],
            )

        def wait_gather(c, j):
            pltpu.make_async_copy(
                x_hbm.at[batch].at[idx_v.at[pl.ds(c * _CHUNK, _CHUNK)]],
                bufs[j],
                gsem[j],
            ).wait()

        def out_slice(c):
            return out_hbm.at[batch].at[pl.ds(row0 + c * _CHUNK, _CHUNK)]

        def fire_store(c, j):
            pltpu.async_copy(bufs[j], out_slice(c), ssem[j])

        def wait_store(c, j):
            pltpu.make_async_copy(bufs[j], out_slice(c), ssem[j]).wait()

        pltpu.sync_copy(fo_hbm.at[pl.ds(row0, rows_per_worker)], idx_v)
        for c0 in range(_F):
            fire_gather(c0, c0 % _NBUF)

        meta0 = wid * meta_per_worker
        pltpu.sync_copy(band_hbm.at[pl.ds(meta0, meta_per_worker)], band_v)
        pltpu.sync_copy(band_v, band_out.at[pl.ds(meta0, meta_per_worker)])
        pltpu.sync_copy(rho_hbm.at[pl.ds(meta0, meta_per_worker)], rho_v)
        pltpu.sync_copy(rho_v, rho_out.at[pl.ds(meta0, meta_per_worker)])

        _W = _NBUF - _F

        @pl.loop(0, n_chunks, step=_NBUF)
        def _(g):
            for j in range(_NBUF):
                c = g + j
                jj = (j + _F) % _NBUF

                @pl.when(c >= _W)
                def _():
                    wait_store(c - _W, jj)

                @pl.when(c + _F < n_chunks)
                def _():
                    fire_gather(c + _F, jj)

                wait_gather(c, j)
                fire_store(c, j)

        for c0 in range(n_chunks - _NBUF + _F, n_chunks):
            wait_store(c0, c0 % _NBUF)

    return gather


def kernel(x, forward_order, band_indices, rho_bar):
    b, n, d = x.shape
    fo = forward_order.astype(jnp.int32)
    out, band_out, rho_out = _make_gather(
        b, n, d, band_indices.dtype, rho_bar.dtype
    )(x, fo, band_indices, rho_bar)
    return (out, band_out, rho_out)

# --- scband reference (transcript-rebuilt; emitter-appended) ---
"""Pipeline reference for scband-sfos-31593779429647 (READ-ONLY COPY).

The authoritative reference and input builder live on the scoring server;
editing this copy changes nothing except your own understanding.
"""

import jax, jax.numpy as jnp
import numpy as np

GRID = (32, 32, 32)
NUM_BANDS = 16

def _build_sfos(grid, num_bands):
    g1, g2, g3 = grid
    center = np.array([(g1 - 1) / 2.0, (g2 - 1) / 2.0, (g3 - 1) / 2.0], dtype=np.float32)
    aa, bb, cc = np.meshgrid(np.arange(g1, dtype=np.float32), np.arange(g2, dtype=np.float32), np.arange(g3, dtype=np.float32), indexing='ij')
    coords = np.stack([aa, bb, cc], axis=-1).reshape(-1, 3)
    rho = np.linalg.norm(coords - center, axis=-1)
    forward = np.argsort(rho, kind='stable').astype(np.int64)
    rho_sorted = rho[forward]
    denom = max(float(rho_sorted.max()), 1e-08)
    rho_bar = (rho_sorted / denom).astype(np.float32)
    band = np.clip(np.floor(rho_bar * num_bands).astype(np.int64), None, num_bands - 1)
    return forward, rho_bar, band

def setup_inputs(seed: int = 0) -> dict:
    key = jax.random.key(seed)
    N = GRID[0] * GRID[1] * GRID[2]
    x = jax.random.normal(key, (4, N, 256), dtype=jnp.float32)
    forward, rho_bar, band = _build_sfos(GRID, NUM_BANDS)
    return {
        'x': x,
        'forward_order': jnp.asarray(forward),
        'band_indices': jnp.asarray(band),
        'rho_bar': jnp.asarray(rho_bar),
    }

def reference(x, forward_order, band_indices, rho_bar):
    # SFOS.forward: permute tokens along dim 1 by frequency-ordered index,
    # return permuted tokens plus band metadata.
    x_perm = jnp.take(x, forward_order, axis=1)
    return (x_perm, band_indices, rho_bar)

if __name__ == "__main__":
    import jax
    _d = setup_inputs()
    print(jax.jit(kernel)(*tuple(_d.values())))

</pallas_src>

<mosaic_0001>
#map = affine_map<(d0, d1) -> (0, 0, 0)>
#map1 = affine_map<(d0, d1) -> (0)>
module attributes {stable_mosaic.version = 14 : i64} {
  func.func @gather(%arg0: i32, %arg1: i32, %arg2: memref<4x32768x256xf32, #tpu.memory_space<hbm>>, %arg3: memref<32768xi32, #tpu.memory_space<hbm>>, %arg4: memref<32768xi32, #tpu.memory_space<hbm>>, %arg5: memref<32768xf32, #tpu.memory_space<hbm>>, %arg6: memref<4x32768x256xf32, #tpu.memory_space<hbm>>, %arg7: memref<32768xi32, #tpu.memory_space<hbm>>, %arg8: memref<32768xf32, #tpu.memory_space<hbm>>, %arg9: memref<4096xi32, #tpu.memory_space<vmem>>, %arg10: memref<1024xi32, #tpu.memory_space<vmem>>, %arg11: memref<1024xf32, #tpu.memory_space<vmem>>, %arg12: memref<32x256xf32, #tpu.memory_space<vmem>>, %arg13: memref<32x256xf32, #tpu.memory_space<vmem>>, %arg14: memref<32x256xf32, #tpu.memory_space<vmem>>, %arg15: memref<32x256xf32, #tpu.memory_space<vmem>>, %arg16: memref<32x256xf32, #tpu.memory_space<vmem>>, %arg17: memref<32x256xf32, #tpu.memory_space<vmem>>, %arg18: memref<32x256xf32, #tpu.memory_space<vmem>>, %arg19: memref<32x256xf32, #tpu.memory_space<vmem>>, %arg20: memref<!tpu.dma_semaphore, #tpu.memory_space<semaphore_mem>>, %arg21: memref<!tpu.dma_semaphore, #tpu.memory_space<semaphore_mem>>, %arg22: memref<!tpu.dma_semaphore, #tpu.memory_space<semaphore_mem>>, %arg23: memref<!tpu.dma_semaphore, #tpu.memory_space<semaphore_mem>>, %arg24: memref<!tpu.dma_semaphore, #tpu.memory_space<semaphore_mem>>, %arg25: memref<!tpu.dma_semaphore, #tpu.memory_space<semaphore_mem>>, %arg26: memref<!tpu.dma_semaphore, #tpu.memory_space<semaphore_mem>>, %arg27: memref<!tpu.dma_semaphore, #tpu.memory_space<semaphore_mem>>, %arg28: memref<!tpu.dma_semaphore, #tpu.memory_space<semaphore_mem>>, %arg29: memref<!tpu.dma_semaphore, #tpu.memory_space<semaphore_mem>>, %arg30: memref<!tpu.dma_semaphore, #tpu.memory_space<semaphore_mem>>, %arg31: memref<!tpu.dma_semaphore, #tpu.memory_space<semaphore_mem>>, %arg32: memref<!tpu.dma_semaphore, #tpu.memory_space<semaphore_mem>>, %arg33: memref<!tpu.dma_semaphore, #tpu.memory_space<semaphore_mem>>, %arg34: memref<!tpu.dma_semaphore, #tpu.memory_space<semaphore_mem>>, %arg35: memref<!tpu.dma_semaphore, #tpu.memory_space<semaphore_mem>>) attributes {dimension_semantics = [#tpu.dimension_semantics<core_parallel>, #tpu.dimension_semantics<subcore_parallel>], iteration_bounds = array<i64: 2, 16>, scalar_prefetch = 0 : i64, scratch_operands = 27 : i64, tpu.core_type = #tpu.core_type<sc_vector_subcore>, window_params = [{transform_indices = #map}, {transform_indices = #map1}, {transform_indices = #map1}, {transform_indices = #map1}, {transform_indices = #map}, {transform_indices = #map1}, {transform_indices = #map1}]} {
    %mul3A = arith.constant 2 : i32
    %mul3A_0 = arith.muli %arg1, %mul3A : i32
    %add3A = arith.addi %mul3A_0, %arg0 : i32
    %jit3A = arith.constant 8 : i32
    %div3A = arith.divsi %add3A, %jit3A : i32
    %sign3A = arith.constant 0 : i32
    %sign3A_1 = arith.cmpi sgt, %add3A, %sign3A : i32
    %sign3A_2 = arith.extui %sign3A_1 : i1 to i32
    %sign3A_3 = arith.constant 0 : i32
    %sign3A_4 = arith.cmpi slt, %add3A, %sign3A_3 : i32
    %sign3A_5 = arith.extui %sign3A_4 : i1 to i32
    %sign3A_6 = arith.subi %sign3A_2, %sign3A_5 : i32
    %sign3A_7 = arith.constant 0 : i32
    %sign3A_8 = arith.cmpi sgt, %jit3A, %sign3A_7 : i32
    %sign3A_9 = arith.extui %sign3A_8 : i1 to i32
    %sign3A_10 = arith.constant 0 : i32
    %sign3A_11 = arith.cmpi slt, %jit3A, %sign3A_10 : i32
    %sign3A_12 = arith.extui %sign3A_11 : i1 to i32
    %sign3A_13 = arith.subi %sign3A_9, %sign3A_12 : i32
    %ne3A = arith.cmpi ne, %sign3A_6, %sign3A_13 : i32
    %rem3A = arith.remsi %add3A, %jit3A : i32
    %ne3A_14 = arith.constant 0 : i32
    %ne3A_15 = arith.cmpi ne, %rem3A, %ne3A_14 : i32
    %and3A = arith.andi %ne3A, %ne3A_15 : i1
    %sub3A = arith.constant 1 : i32
    %sub3A_16 = arith.subi %div3A, %sub3A : i32
    %select_n3A = arith.select %and3A, %sub3A_16, %div3A : i32
    %jit3A_17 = arith.constant 8 : i32
    %eq3A = arith.constant 0 : i32
    %eq3A_18 = arith.cmpi eq, %jit3A_17, %eq3A : i32
    %jit3A_19 = arith.constant 1 : i32
    %select_n3A_20 = arith.select %eq3A_18, %jit3A_19, %jit3A_17 : i32
    %rem3A_21 = arith.remsi %add3A, %select_n3A_20 : i32
    %ne3A_22 = arith.constant 0 : i32
    %ne3A_23 = arith.cmpi ne, %rem3A_21, %ne3A_22 : i32
    %lt3A = arith.constant 0 : i32
    %lt3A_24 = arith.cmpi slt, %rem3A_21, %lt3A : i32
    %lt3A_25 = arith.constant 0 : i32
    %lt3A_26 = arith.cmpi slt, %select_n3A_20, %lt3A_25 : i32
    %ne3A_27 = arith.xori %lt3A_24, %lt3A_26 : i1
    %and3A_28 = arith.andi %ne3A_27, %ne3A_23 : i1
    %add3A_29 = arith.addi %rem3A_21, %select_n3A_20 : i32
    %select_n3A_30 = arith.select %and3A_28, %add3A_29, %rem3A_21 : i32
    %mul3A_31 = arith.constant 4096 : i32
    %mul3A_32 = arith.muli %select_n3A_30, %mul3A_31 : i32
    "tpu.region"() ({
      %run_scoped3A = tpu.sem_alloc : memref<!tpu.dma_semaphore, #tpu.memory_space<semaphore_mem>>
      %dma_start3A_134 = tpu.memref_slice %arg3[%mul3A_32] : memref<32768xi32, #tpu.memory_space<hbm>> -> memref<4096xi32, #tpu.memory_space<hbm>>
      %dma_start3A_135 = tpu.memref_slice %arg3[%mul3A_32] : memref<32768xi32, #tpu.memory_space<hbm>> -> memref<4096xi32, #tpu.memory_space<hbm>>
      tpu.enqueue_dma source(%dma_start3A_135 : memref<4096xi32, #tpu.memory_space<hbm>>) target(%arg9 : memref<4096xi32, #tpu.memory_space<vmem>>) target_semaphore(%run_scoped3A : memref<!tpu.dma_semaphore, #tpu.memory_space<semaphore_mem>>)
      %dma_wait3A_136 = tpu.memref_slice %arg3[%mul3A_32] : memref<32768xi32, #tpu.memory_space<hbm>> -> memref<4096xi32, #tpu.memory_space<hbm>>
      %dma_wait3A_137 = tpu.memref_slice %arg3[%mul3A_32] : memref<32768xi32, #tpu.memory_space<hbm>> -> memref<4096xi32, #tpu.memory_space<hbm>>
      tpu.wait_dma2 semaphore(%run_scoped3A : memref<!tpu.dma_semaphore, #tpu.memory_space<semaphore_mem>>) src(%dma_wait3A_137 : memref<4096xi32, #tpu.memory_space<hbm>>) dst(%arg9 : memref<4096xi32, #tpu.memory_space<vmem>>)
      tpu.yield
    }) : () -> ()
    %dma_start3A = arith.constant 0 : i32
    %dma_start3A_33 = tpu.memref_slice %arg9[%dma_start3A] : memref<4096xi32, #tpu.memory_space<vmem>> -> memref<32xi32, #tpu.memory_space<vmem>>
    %dma_start3A_34 = arith.constant 0 : i32
    %dma_start3A_35 = arith.constant 0 : i32
    %dma_start3A_36 = tpu.memref_slice %arg2[%select_n3A, %dma_start3A_34, %dma_start3A_35] : memref<4x32768x256xf32, #tpu.memory_space<hbm>> -> memref<1x32768x256xf32, #tpu.memory_space<hbm>>
    %dma_start3A_37 = tpu.memref_squeeze %dma_start3A_36 : memref<1x32768x256xf32, #tpu.memory_space<hbm>> -> memref<32768x256xf32, #tpu.memory_space<hbm>>
    %dma_start3A_38 = arith.constant 0 : i32
    %dma_start3A_39 = arith.constant 0 : i32
    %dma_start3A_40 = tpu.memref_slice %dma_start3A_37[%dma_start3A_38, %dma_start3A_39] : memref<32768x256xf32, #tpu.memory_space<hbm>> -> memref<32768x256xf32, #tpu.memory_space<hbm>>
    tpu.enqueue_indirect_dma source(%dma_start3A_40 : memref<32768x256xf32, #tpu.memory_space<hbm>>) target(%arg12 : memref<32x256xf32, #tpu.memory_space<vmem>>) offsets(%dma_start3A_33 : memref<32xi32, #tpu.memory_space<vmem>>) semaphore(%arg20 : memref<!tpu.dma_semaphore, #tpu.memory_space<semaphore_mem>>)
    %dma_start3A_41 = arith.constant 32 : i32
    %dma_start3A_42 = tpu.memref_slice %arg9[%dma_start3A_41] : memref<4096xi32, #tpu.memory_space<vmem>> -> memref<32xi32, #tpu.memory_space<vmem>>
    %dma_start3A_43 = arith.constant 0 : i32
    %dma_start3A_44 = arith.constant 0 : i32
    %dma_start3A_45 = tpu.memref_slice %arg2[%select_n3A, %dma_start3A_43, %dma_start3A_44] : memref<4x32768x256xf32, #tpu.memory_space<hbm>> -> memref<1x32768x256xf32, #tpu.memory_space<hbm>>
    %dma_start3A_46 = tpu.memref_squeeze %dma_start3A_45 : memref<1x32768x256xf32, #tpu.memory_space<hbm>> -> memref<32768x256xf32, #tpu.memory_space<hbm>>
    %dma_start3A_47 = arith.constant 0 : i32
    %dma_start3A_48 = arith.constant 0 : i32
    %dma_start3A_49 = tpu.memref_slice %dma_start3A_46[%dma_start3A_47, %dma_start3A_48] : memref<32768x256xf32, #tpu.memory_space<hbm>> -> memref<32768x256xf32, #tpu.memory_space<hbm>>
    tpu.enqueue_indirect_dma source(%dma_start3A_49 : memref<32768x256xf32, #tpu.memory_space<hbm>>) target(%arg13 : memref<32x256xf32, #tpu.memory_space<vmem>>) offsets(%dma_start3A_42 : memref<32xi32, #tpu.memory_space<vmem>>) semaphore(%arg21 : memref<!tpu.dma_semaphore, #tpu.memory_space<semaphore_mem>>)
    %dma_start3A_50 = arith.constant 64 : i32
    %dma_start3A_51 = tpu.memref_slice %arg9[%dma_start3A_50] : memref<4096xi32, #tpu.memory_space<vmem>> -> memref<32xi32, #tpu.memory_space<vmem>>
    %dma_start3A_52 = arith.constant 0 : i32
    %dma_start3A_53 = arith.constant 0 : i32
    %dma_start3A_54 = tpu.memref_slice %arg2[%select_n3A, %dma_start3A_52, %dma_start3A_53] : memref<4x32768x256xf32, #tpu.memory_space<hbm>> -> memref<1x32768x256xf32, #tpu.memory_space<hbm>>
    %dma_start3A_55 = tpu.memref_squeeze %dma_start3A_54 : memref<1x32768x256xf32, #tpu.memory_space<hbm>> -> memref<32768x256xf32, #tpu.memory_space<hbm>>
    %dma_start3A_56 = arith.constant 0 : i32
    %dma_start3A_57 = arith.constant 0 : i32
    %dma_start3A_58 = tpu.memref_slice %dma_start3A_55[%dma_start3A_56, %dma_start3A_57] : memref<32768x256xf32, #tpu.memory_space<hbm>> -> memref<32768x256xf32, #tpu.memory_space<hbm>>
    tpu.enqueue_indirect_dma source(%dma_start3A_58 : memref<32768x256xf32, #tpu.memory_space<hbm>>) target(%arg14 : memref<32x256xf32, #tpu.memory_space<vmem>>) offsets(%dma_start3A_51 : memref<32xi32, #tpu.memory_space<vmem>>) semaphore(%arg22 : memref<!tpu.dma_semaphore, #tpu.memory_space<semaphore_mem>>)
    %mul3A_59 = arith.constant 1024 : i32
    %mul3A_60 = arith.muli %add3A, %mul3A_59 : i32
    "tpu.region"() ({
      %run_scoped3A = tpu.sem_alloc : memref<!tpu.dma_semaphore, #tpu.memory_space<semaphore_mem>>
      %dma_start3A_134 = tpu.memref_slice %arg4[%mul3A_60] : memref<32768xi32, #tpu.memory_space<hbm>> -> memref<1024xi32, #tpu.memory_space<hbm>>
      %dma_start3A_135 = tpu.memref_slice %arg4[%mul3A_60] : memref<32768xi32, #tpu.memory_space<hbm>> -> memref<1024xi32, #tpu.memory_space<hbm>>
      tpu.enqueue_dma source(%dma_start3A_135 : memref<1024xi32, #tpu.memory_space<hbm>>) target(%arg10 : memref<1024xi32, #tpu.memory_space<vmem>>) target_semaphore(%run_scoped3A : memref<!tpu.dma_semaphore, #tpu.memory_space<semaphore_mem>>)
      %dma_wait3A_136 = tpu.memref_slice %arg4[%mul3A_60] : memref<32768xi32, #tpu.memory_space<hbm>> -> memref<1024xi32, #tpu.memory_space<hbm>>
      %dma_wait3A_137 = tpu.memref_slice %arg4[%mul3A_60] : memref<32768xi32, #tpu.memory_space<hbm>> -> memref<1024xi32, #tpu.memory_space<hbm>>
      tpu.wait_dma2 semaphore(%run_scoped3A : memref<!tpu.dma_semaphore, #tpu.memory_space<semaphore_mem>>) src(%dma_wait3A_137 : memref<1024xi32, #tpu.memory_space<hbm>>) dst(%arg10 : memref<1024xi32, #tpu.memory_space<vmem>>)
      tpu.yield
    }) : () -> ()
    "tpu.region"() ({
      %run_scoped3A = tpu.sem_alloc : memref<!tpu.dma_semaphore, #tpu.memory_space<semaphore_mem>>
      %dma_start3A_134 = tpu.memref_slice %arg7[%mul3A_60] : memref<32768xi32, #tpu.memory_space<hbm>> -> memref<1024xi32, #tpu.memory_space<hbm>>
      %dma_start3A_135 = tpu.memref_slice %arg7[%mul3A_60] : memref<32768xi32, #tpu.memory_space<hbm>> -> memref<1024xi32, #tpu.memory_space<hbm>>
      tpu.enqueue_dma source(%arg10 : memref<1024xi32, #tpu.memory_space<vmem>>) target(%dma_start3A_135 : memref<1024xi32, #tpu.memory_space<hbm>>) target_semaphore(%run_scoped3A : memref<!tpu.dma_semaphore, #tpu.memory_space<semaphore_mem>>)
      %dma_wait3A_136 = tpu.memref_slice %arg7[%mul3A_60] : memref<32768xi32, #tpu.memory_space<hbm>> -> memref<1024xi32, #tpu.memory_space<hbm>>
      %dma_wait3A_137 = tpu.memref_slice %arg7[%mul3A_60] : memref<32768xi32, #tpu.memory_space<hbm>> -> memref<1024xi32, #tpu.memory_space<hbm>>
      tpu.wait_dma2 semaphore(%run_scoped3A : memref<!tpu.dma_semaphore, #tpu.memory_space<semaphore_mem>>) src(%arg10 : memref<1024xi32, #tpu.memory_space<vmem>>) dst(%dma_wait3A_137 : memref<1024xi32, #tpu.memory_space<hbm>>)
      tpu.yield
    }) : () -> ()
    "tpu.region"() ({
      %run_scoped3A = tpu.sem_alloc : memref<!tpu.dma_semaphore, #tpu.memory_space<semaphore_mem>>
      %dma_start3A_134 = tpu.memref_slice %arg5[%mul3A_60] : memref<32768xf32, #tpu.memory_space<hbm>> -> memref<1024xf32, #tpu.memory_space<hbm>>
      %dma_start3A_135 = tpu.memref_slice %arg5[%mul3A_60] : memref<32768xf32, #tpu.memory_space<hbm>> -> memref<1024xf32, #tpu.memory_space<hbm>>
      tpu.enqueue_dma source(%dma_start3A_135 : memref<1024xf32, #tpu.memory_space<hbm>>) target(%arg11 : memref<1024xf32, #tpu.memory_space<vmem>>) target_semaphore(%run_scoped3A : memref<!tpu.dma_semaphore, #tpu.memory_space<semaphore_mem>>)
      %dma_wait3A_136 = tpu.memref_slice %arg5[%mul3A_60] : memref<32768xf32, #tpu.memory_space<hbm>> -> memref<1024xf32, #tpu.memory_space<hbm>>
      %dma_wait3A_137 = tpu.memref_slice %arg5[%mul3A_60] : memref<32768xf32, #tpu.memory_space<hbm>> -> memref<1024xf32, #tpu.memory_space<hbm>>
      tpu.wait_dma2 semaphore(%run_scoped3A : memref<!tpu.dma_semaphore, #tpu.memory_space<semaphore_mem>>) src(%dma_wait3A_137 : memref<1024xf32, #tpu.memory_space<hbm>>) dst(%arg11 : memref<1024xf32, #tpu.memory_space<vmem>>)
      tpu.yield
    }) : () -> ()
    "tpu.region"() ({
      %run_scoped3A = tpu.sem_alloc : memref<!tpu.dma_semaphore, #tpu.memory_space<semaphore_mem>>
      %dma_start3A_134 = tpu.memref_slice %arg8[%mul3A_60] : memref<32768xf32, #tpu.memory_space<hbm>> -> memref<1024xf32, #tpu.memory_space<hbm>>
      %dma_start3A_135 = tpu.memref_slice %arg8[%mul3A_60] : memref<32768xf32, #tpu.memory_space<hbm>> -> memref<1024xf32, #tpu.memory_space<hbm>>
      tpu.enqueue_dma source(%arg11 : memref<1024xf32, #tpu.memory_space<vmem>>) target(%dma_start3A_135 : memref<1024xf32, #tpu.memory_space<hbm>>) target_semaphore(%run_scoped3A : memref<!tpu.dma_semaphore, #tpu.memory_space<semaphore_mem>>)
      %dma_wait3A_136 = tpu.memref_slice %arg8[%mul3A_60] : memref<32768xf32, #tpu.memory_space<hbm>> -> memref<1024xf32, #tpu.memory_space<hbm>>
      %dma_wait3A_137 = tpu.memref_slice %arg8[%mul3A_60] : memref<32768xf32, #tpu.memory_space<hbm>> -> memref<1024xf32, #tpu.memory_space<hbm>>
      tpu.wait_dma2 semaphore(%run_scoped3A : memref<!tpu.dma_semaphore, #tpu.memory_space<semaphore_mem>>) src(%arg11 : memref<1024xf32, #tpu.memory_space<vmem>>) dst(%dma_wait3A_137 : memref<1024xf32, #tpu.memory_space<hbm>>)
      tpu.yield
    }) : () -> ()
    %scan3A = arith.constant 0 : i32
    %scan3A_61 = arith.constant 16 : i32
    %scan3A_62 = arith.addi %scan3A, %scan3A_61 : i32
    %scan3A_63 = arith.constant 1 : i32
    scf.for %scan3A_134 = %scan3A to %scan3A_62 step %scan3A_63  : i32 {
      %mul3A_135 = arith.constant 8 : i32
      %mul3A_136 = arith.muli %scan3A_134, %mul3A_135 : i32
      %add3A_137 = arith.constant 0 : i32
      %add3A_138 = arith.addi %add3A_137, %mul3A_136 : i32
      %add3A_139 = arith.constant 0 : i32
      %add3A_140 = arith.addi %add3A_138, %add3A_139 : i32
      %ge3A = arith.constant 5 : i32
      %ge3A_141 = arith.cmpi sge, %add3A_140, %ge3A : i32
      %convert_element_type3A = arith.extui %ge3A_141 : i1 to i32
      %cond3A = arith.constant 0 : i32
      %cond3A_142 = arith.cmpi ne, %convert_element_type3A, %cond3A : i32
      scf.if %cond3A_142 {
        %sub3A_448 = arith.constant 5 : i32
        %sub3A_449 = arith.subi %add3A_140, %sub3A_448 : i32
        %mul3A_450 = arith.constant 32 : i32
        %mul3A_451 = arith.muli %sub3A_449, %mul3A_450 : i32
        %add3A_452 = arith.addi %mul3A_32, %mul3A_451 : i32
        %dma_wait3A_453 = arith.constant 0 : i32
        %dma_wait3A_454 = arith.constant 0 : i32
        %dma_wait3A_455 = tpu.memref_slice %arg6[%select_n3A, %dma_wait3A_453, %dma_wait3A_454] : memref<4x32768x256xf32, #tpu.memory_space<hbm>> -> memref<1x32768x256xf32, #tpu.memory_space<hbm>>
        %dma_wait3A_456 = tpu.memref_squeeze %dma_wait3A_455 : memref<1x32768x256xf32, #tpu.memory_space<hbm>> -> memref<32768x256xf32, #tpu.memory_space<hbm>>
        %dma_wait3A_457 = arith.constant 0 : i32
        %dma_wait3A_458 = tpu.memref_slice %dma_wait3A_456[%add3A_452, %dma_wait3A_457] : memref<32768x256xf32, #tpu.memory_space<hbm>> -> memref<32x256xf32, #tpu.memory_space<hbm>>
        %dma_wait3A_459 = arith.constant 0 : i32
        %dma_wait3A_460 = arith.constant 0 : i32
        %dma_wait3A_461 = tpu.memref_slice %arg6[%select_n3A, %dma_wait3A_459, %dma_wait3A_460] : memref<4x32768x256xf32, #tpu.memory_space<hbm>> -> memref<1x32768x256xf32, #tpu.memory_space<hbm>>
        %dma_wait3A_462 = tpu.memref_squeeze %dma_wait3A_461 : memref<1x32768x256xf32, #tpu.memory_space<hbm>> -> memref<32768x256xf32, #tpu.memory_space<hbm>>
        %dma_wait3A_463 = arith.constant 0 : i32
        %dma_wait3A_464 = tpu.memref_slice %dma_wait3A_462[%add3A_452, %dma_wait3A_463] : memref<32768x256xf32, #tpu.memory_space<hbm>> -> memref<32x256xf32, #tpu.memory_space<hbm>>
        tpu.wait_dma2 semaphore(%arg31 : memref<!tpu.dma_semaphore, #tpu.memory_space<semaphore_mem>>) src(%arg15 : memref<32x256xf32, #tpu.memory_space<vmem>>) dst(%dma_wait3A_464 : memref<32x256xf32, #tpu.memory_space<hbm>>)
      } else {
      }
      %add3A_143 = arith.constant 3 : i32
      %add3A_144 = arith.addi %add3A_140, %add3A_143 : i32
      %lt3A_145 = arith.constant 128 : i32
      %lt3A_146 = arith.cmpi slt, %add3A_144, %lt3A_145 : i32
      %convert_element_type3A_147 = arith.extui %lt3A_146 : i1 to i32
      %cond3A_148 = arith.constant 0 : i32
      %cond3A_149 = arith.cmpi ne, %convert_element_type3A_147, %cond3A_148 : i32
      scf.if %cond3A_149 {
        %add3A_448 = arith.constant 3 : i32
        %add3A_449 = arith.addi %add3A_140, %add3A_448 : i32
        %mul3A_450 = arith.constant 32 : i32
        %mul3A_451 = arith.muli %add3A_449, %mul3A_450 : i32
        %dma_start3A_452 = tpu.memref_slice %arg9[%mul3A_451] : memref<4096xi32, #tpu.memory_space<vmem>> -> memref<32xi32, #tpu.memory_space<vmem>>
        %dma_start3A_453 = arith.constant 0 : i32
        %dma_start3A_454 = arith.constant 0 : i32
        %dma_start3A_455 = tpu.memref_slice %arg2[%select_n3A, %dma_start3A_453, %dma_start3A_454] : memref<4x32768x256xf32, #tpu.memory_space<hbm>> -> memref<1x32768x256xf32, #tpu.memory_space<hbm>>
        %dma_start3A_456 = tpu.memref_squeeze %dma_start3A_455 : memref<1x32768x256xf32, #tpu.memory_space<hbm>> -> memref<32768x256xf32, #tpu.memory_space<hbm>>
        %dma_start3A_457 = arith.constant 0 : i32
        %dma_start3A_458 = arith.constant 0 : i32
        %dma_start3A_459 = tpu.memref_slice %dma_start3A_456[%dma_start3A_457, %dma_start3A_458] : memref<32768x256xf32, #tpu.memory_space<hbm>> -> memref<32768x256xf32, #tpu.memory_space<hbm>>
        tpu.enqueue_indirect_dma source(%dma_start3A_459 : memref<32768x256xf32, #tpu.memory_space<hbm>>) target(%arg15 : memref<32x256xf32, #tpu.memory_space<vmem>>) offsets(%dma_start3A_452 : memref<32xi32, #tpu.memory_space<vmem>>) semaphore(%arg23 : memref<!tpu.dma_semaphore, #tpu.memory_space<semaphore_mem>>)
      } else {
      }
      %mul3A_150 = arith.constant 32 : i32
      %mul3A_151 = arith.muli %add3A_140, %mul3A_150 : i32
      %dma_wait3A_152 = tpu.memref_slice %arg9[%mul3A_151] : memref<4096xi32, #tpu.memory_space<vmem>> -> memref<32xi32, #tpu.memory_space<vmem>>
      %dma_wait3A_153 = arith.constant 0 : i32
      %dma_wait3A_154 = arith.constant 0 : i32
      %dma_wait3A_155 = tpu.memref_slice %arg2[%select_n3A, %dma_wait3A_153, %dma_wait3A_154] : memref<4x32768x256xf32, #tpu.memory_space<hbm>> -> memref<1x32768x256xf32, #tpu.memory_space<hbm>>
      %dma_wait3A_156 = tpu.memref_squeeze %dma_wait3A_155 : memref<1x32768x256xf32, #tpu.memory_space<hbm>> -> memref<32768x256xf32, #tpu.memory_space<hbm>>
      %dma_wait3A_157 = arith.constant 0 : i32
      %dma_wait3A_158 = arith.constant 0 : i32
      %dma_wait3A_159 = tpu.memref_slice %dma_wait3A_156[%dma_wait3A_157, %dma_wait3A_158] : memref<32768x256xf32, #tpu.memory_space<hbm>> -> memref<32768x256xf32, #tpu.memory_space<hbm>>
      tpu.wait_indirect_dma semaphore(%arg20 : memref<!tpu.dma_semaphore, #tpu.memory_space<semaphore_mem>>) src(%dma_wait3A_159 : memref<32768x256xf32, #tpu.memory_space<hbm>>) dst(%arg12 : memref<32x256xf32, #tpu.memory_space<vmem>>)
      %mul3A_160 = arith.constant 32 : i32
      %mul3A_161 = arith.muli %add3A_140, %mul3A_160 : i32
      %add3A_162 = arith.addi %mul3A_32, %mul3A_161 : i32
      %dma_start3A_163 = arith.constant 0 : i32
      %dma_start3A_164 = arith.constant 0 : i32
      %dma_start3A_165 = tpu.memref_slice %arg6[%select_n3A, %dma_start3A_163, %dma_start3A_164] : memref<4x32768x256xf32, #tpu.memory_space<hbm>> -> memref<1x32768x256xf32, #tpu.memory_space<hbm>>
      %dma_start3A_166 = tpu.memref_squeeze %dma_start3A_165 : memref<1x32768x256xf32, #tpu.memory_space<hbm>> -> memref<32768x256xf32, #tpu.memory_space<hbm>>
      %dma_start3A_167 = arith.constant 0 : i32
      %dma_start3A_168 = tpu.memref_slice %dma_start3A_166[%add3A_162, %dma_start3A_167] : memref<32768x256xf32, #tpu.memory_space<hbm>> -> memref<32x256xf32, #tpu.memory_space<hbm>>
      %dma_start3A_169 = arith.constant 0 : i32
      %dma_start3A_170 = arith.constant 0 : i32
      %dma_start3A_171 = tpu.memref_slice %arg6[%select_n3A, %dma_start3A_169, %dma_start3A_170] : memref<4x32768x256xf32, #tpu.memory_space<hbm>> -> memref<1x32768x256xf32, #tpu.memory_space<hbm>>
      %dma_start3A_172 = tpu.memref_squeeze %dma_start3A_171 : memref<1x32768x256xf32, #tpu.memory_space<hbm>> -> memref<32768x256xf32, #tpu.memory_space<hbm>>
      %dma_start3A_173 = arith.constant 0 : i32
      %dma_start3A_174 = tpu.memref_slice %dma_start3A_172[%add3A_162, %dma_start3A_173] : memref<32768x256xf32, #tpu.memory_space<hbm>> -> memref<32x256xf32, #tpu.memory_space<hbm>>
      tpu.enqueue_dma source(%arg12 : memref<32x256xf32, #tpu.memory_space<vmem>>) target(%dma_start3A_174 : memref<32x256xf32, #tpu.memory_space<hbm>>) target_semaphore(%arg28 : memref<!tpu.dma_semaphore, #tpu.memory_space<semaphore_mem>>)
      %add3A_175 = arith.constant 1 : i32
      %add3A_176 = arith.addi %add3A_138, %add3A_175 : i32
      %ge3A_177 = arith.constant 5 : i32
      %ge3A_178 = arith.cmpi sge, %add3A_176, %ge3A_177 : i32
      %convert_element_type3A_179 = arith.extui %ge3A_178 : i1 to i32
      %cond3A_180 = arith.constant 0 : i32
      %cond3A_181 = arith.cmpi ne, %convert_element_type3A_179, %cond3A_180 : i32
      scf.if %cond3A_181 {
        %sub3A_448 = arith.constant 5 : i32
        %sub3A_449 = arith.subi %add3A_176, %sub3A_448 : i32
        %mul3A_450 = arith.constant 32 : i32
        %mul3A_451 = arith.muli %sub3A_449, %mul3A_450 : i32
        %add3A_452 = arith.addi %mul3A_32, %mul3A_451 : i32
        %dma_wait3A_453 = arith.constant 0 : i32
        %dma_wait3A_454 = arith.constant 0 : i32
        %dma_wait3A_455 = tpu.memref_slice %arg6[%select_n3A, %dma_wait3A_453, %dma_wait3A_454] : memref<4x32768x256xf32, #tpu.memory_space<hbm>> -> memref<1x32768x256xf32, #tpu.memory_space<hbm>>
        %dma_wait3A_456 = tpu.memref_squeeze %dma_wait3A_455 : memref<1x32768x256xf32, #tpu.memory_space<hbm>> -> memref<32768x256xf32, #tpu.memory_space<hbm>>
        %dma_wait3A_457 = arith.constant 0 : i32
        %dma_wait3A_458 = tpu.memref_slice %dma_wait3A_456[%add3A_452, %dma_wait3A_457] : memref<32768x256xf32, #tpu.memory_space<hbm>> -> memref<32x256xf32, #tpu.memory_space<hbm>>
        %dma_wait3A_459 = arith.constant 0 : i32
        %dma_wait3A_460 = arith.constant 0 : i32
        %dma_wait3A_461 = tpu.memref_slice %arg6[%select_n3A, %dma_wait3A_459, %dma_wait3A_460] : memref<4x32768x256xf32, #tpu.memory_space<hbm>> -> memref<1x32768x256xf32, #tpu.memory_space<hbm>>
        %dma_wait3A_462 = tpu.memref_squeeze %dma_wait3A_461 : memref<1x32768x256xf32, #tpu.memory_space<hbm>> -> memref<32768x256xf32, #tpu.memory_space<hbm>>
        %dma_wait3A_463 = arith.constant 0 : i32
        %dma_wait3A_464 = tpu.memref_slice %dma_wait3A_462[%add3A_452, %dma_wait3A_463] : memref<32768x256xf32, #tpu.memory_space<hbm>> -> memref<32x256xf32, #tpu.memory_space<hbm>>
        tpu.wait_dma2 semaphore(%arg32 : memref<!tpu.dma_semaphore, #tpu.memory_space<semaphore_mem>>) src(%arg16 : memref<32x256xf32, #tpu.memory_space<vmem>>) dst(%dma_wait3A_464 : memref<32x256xf32, #tpu.memory_space<hbm>>)
      } else {
      }
      %add3A_182 = arith.constant 3 : i32
      %add3A_183 = arith.addi %add3A_176, %add3A_182 : i32
      %lt3A_184 = arith.constant 128 : i32
      %lt3A_185 = arith.cmpi slt, %add3A_183, %lt3A_184 : i32
      %convert_element_type3A_186 = arith.extui %lt3A_185 : i1 to i32
      %cond3A_187 = arith.constant 0 : i32
      %cond3A_188 = arith.cmpi ne, %convert_element_type3A_186, %cond3A_187 : i32
      scf.if %cond3A_188 {
        %add3A_448 = arith.constant 3 : i32
        %add3A_449 = arith.addi %add3A_176, %add3A_448 : i32
        %mul3A_450 = arith.constant 32 : i32
        %mul3A_451 = arith.muli %add3A_449, %mul3A_450 : i32
        %dma_start3A_452 = tpu.memref_slice %arg9[%mul3A_451] : memref<4096xi32, #tpu.memory_space<vmem>> -> memref<32xi32, #tpu.memory_space<vmem>>
        %dma_start3A_453 = arith.constant 0 : i32
        %dma_start3A_454 = arith.constant 0 : i32
        %dma_start3A_455 = tpu.memref_slice %arg2[%select_n3A, %dma_start3A_453, %dma_start3A_454] : memref<4x32768x256xf32, #tpu.memory_space<hbm>> -> memref<1x32768x256xf32, #tpu.memory_space<hbm>>
        %dma_start3A_456 = tpu.memref_squeeze %dma_start3A_455 : memref<1x32768x256xf32, #tpu.memory_space<hbm>> -> memref<32768x256xf32, #tpu.memory_space<hbm>>
        %dma_start3A_457 = arith.constant 0 : i32
        %dma_start3A_458 = arith.constant 0 : i32
        %dma_start3A_459 = tpu.memref_slice %dma_start3A_456[%dma_start3A_457, %dma_start3A_458] : memref<32768x256xf32, #tpu.memory_space<hbm>> -> memref<32768x256xf32, #tpu.memory_space<hbm>>
        tpu.enqueue_indirect_dma source(%dma_start3A_459 : memref<32768x256xf32, #tpu.memory_space<hbm>>) target(%arg16 : memref<32x256xf32, #tpu.memory_space<vmem>>) offsets(%dma_start3A_452 : memref<32xi32, #tpu.memory_space<vmem>>) semaphore(%arg24 : memref<!tpu.dma_semaphore, #tpu.memory_space<semaphore_mem>>)
      } else {
      }
      %mul3A_189 = arith.constant 32 : i32
      %mul3A_190 = arith.muli %add3A_176, %mul3A_189 : i32
      %dma_wait3A_191 = tpu.memref_slice %arg9[%mul3A_190] : memref<4096xi32, #tpu.memory_space<vmem>> -> memref<32xi32, #tpu.memory_space<vmem>>
      %dma_wait3A_192 = arith.constant 0 : i32
      %dma_wait3A_193 = arith.constant 0 : i32
      %dma_wait3A_194 = tpu.memref_slice %arg2[%select_n3A, %dma_wait3A_192, %dma_wait3A_193] : memref<4x32768x256xf32, #tpu.memory_space<hbm>> -> memref<1x32768x256xf32, #tpu.memory_space<hbm>>
      %dma_wait3A_195 = tpu.memref_squeeze %dma_wait3A_194 : memref<1x32768x256xf32, #tpu.memory_space<hbm>> -> memref<32768x256xf32, #tpu.memory_space<hbm>>
      %dma_wait3A_196 = arith.constant 0 : i32
      %dma_wait3A_197 = arith.constant 0 : i32
      %dma_wait3A_198 = tpu.memref_slice %dma_wait3A_195[%dma_wait3A_196, %dma_wait3A_197] : memref<32768x256xf32, #tpu.memory_space<hbm>> -> memref<32768x256xf32, #tpu.memory_space<hbm>>
      tpu.wait_indirect_dma semaphore(%arg21 : memref<!tpu.dma_semaphore, #tpu.memory_space<semaphore_mem>>) src(%dma_wait3A_198 : memref<32768x256xf32, #tpu.memory_space<hbm>>) dst(%arg13 : memref<32x256xf32, #tpu.memory_space<vmem>>)
      %mul3A_199 = arith.constant 32 : i32
      %mul3A_200 = arith.muli %add3A_176, %mul3A_199 : i32
      %add3A_201 = arith.addi %mul3A_32, %mul3A_200 : i32
      %dma_start3A_202 = arith.constant 0 : i32
      %dma_start3A_203 = arith.constant 0 : i32
      %dma_start3A_204 = tpu.memref_slice %arg6[%select_n3A, %dma_start3A_202, %dma_start3A_203] : memref<4x32768x256xf32, #tpu.memory_space<hbm>> -> memref<1x32768x256xf32, #tpu.memory_space<hbm>>
      %dma_start3A_205 = tpu.memref_squeeze %dma_start3A_204 : memref<1x32768x256xf32, #tpu.memory_space<hbm>> -> memref<32768x256xf32, #tpu.memory_space<hbm>>
      %dma_start3A_206 = arith.constant 0 : i32
      %dma_start3A_207 = tpu.memref_slice %dma_start3A_205[%add3A_201, %dma_start3A_206] : memref<32768x256xf32, #tpu.memory_space<hbm>> -> memref<32x256xf32, #tpu.memory_space<hbm>>
      %dma_start3A_208 = arith.constant 0 : i32
      %dma_start3A_209 = arith.constant 0 : i32
      %dma_start3A_210 = tpu.memref_slice %arg6[%select_n3A, %dma_start3A_208, %dma_start3A_209] : memref<4x32768x256xf32, #tpu.memory_space<hbm>> -> memref<1x32768x256xf32, #tpu.memory_space<hbm>>
      %dma_start3A_211 = tpu.memref_squeeze %dma_start3A_210 : memref<1x32768x256xf32, #tpu.memory_space<hbm>> -> memref<32768x256xf32, #tpu.memory_space<hbm>>
      %dma_start3A_212 = arith.constant 0 : i32
      %dma_start3A_213 = tpu.memref_slice %dma_start3A_211[%add3A_201, %dma_start3A_212] : memref<32768x256xf32, #tpu.memory_space<hbm>> -> memref<32x256xf32, #tpu.memory_space<hbm>>
      tpu.enqueue_dma source(%arg13 : memref<32x256xf32, #tpu.memory_space<vmem>>) target(%dma_start3A_213 : memref<32x256xf32, #tpu.memory_space<hbm>>) target_semaphore(%arg29 : memref<!tpu.dma_semaphore, #tpu.memory_space<semaphore_mem>>)
      %add3A_214 = arith.constant 2 : i32
      %add3A_215 = arith.addi %add3A_138, %add3A_214 : i32
      %ge3A_216 = arith.constant 5 : i32
      %ge3A_217 = arith.cmpi sge, %add3A_215, %ge3A_216 : i32
      %convert_element_type3A_218 = arith.extui %ge3A_217 : i1 to i32
      %cond3A_219 = arith.constant 0 : i32
      %cond3A_220 = arith.cmpi ne, %convert_element_type3A_218, %cond3A_219 : i32
      scf.if %cond3A_220 {
        %sub3A_448 = arith.constant 5 : i32
        %sub3A_449 = arith.subi %add3A_215, %sub3A_448 : i32
        %mul3A_450 = arith.constant 32 : i32
        %mul3A_451 = arith.muli %sub3A_449, %mul3A_450 : i32
        %add3A_452 = arith.addi %mul3A_32, %mul3A_451 : i32
        %dma_wait3A_453 = arith.constant 0 : i32
        %dma_wait3A_454 = arith.constant 0 : i32
        %dma_wait3A_455 = tpu.memref_slice %arg6[%select_n3A, %dma_wait3A_453, %dma_wait3A_454] : memref<4x32768x256xf32, #tpu.memory_space<hbm>> -> memref<1x32768x256xf32, #tpu.memory_space<hbm>>
        %dma_wait3A_456 = tpu.memref_squeeze %dma_wait3A_455 : memref<1x32768x256xf32, #tpu.memory_space<hbm>> -> memref<32768x256xf32, #tpu.memory_space<hbm>>
        %dma_wait3A_457 = arith.constant 0 : i32
        %dma_wait3A_458 = tpu.memref_slice %dma_wait3A_456[%add3A_452, %dma_wait3A_457] : memref<32768x256xf32, #tpu.memory_space<hbm>> -> memref<32x256xf32, #tpu.memory_space<hbm>>
        %dma_wait3A_459 = arith.constant 0 : i32
        %dma_wait3A_460 = arith.constant 0 : i32
        %dma_wait3A_461 = tpu.memref_slice %arg6[%select_n3A, %dma_wait3A_459, %dma_wait3A_460] : memref<4x32768x256xf32, #tpu.memory_space<hbm>> -> memref<1x32768x256xf32, #tpu.memory_space<hbm>>
        %dma_wait3A_462 = tpu.memref_squeeze %dma_wait3A_461 : memref<1x32768x256xf32, #tpu.memory_space<hbm>> -> memref<32768x256xf32, #tpu.memory_space<hbm>>
        %dma_wait3A_463 = arith.constant 0 : i32
        %dma_wait3A_464 = tpu.memref_slice %dma_wait3A_462[%add3A_452, %dma_wait3A_463] : memref<32768x256xf32, #tpu.memory_space<hbm>> -> memref<32x256xf32, #tpu.memory_space<hbm>>
        tpu.wait_dma2 semaphore(%arg33 : memref<!tpu.dma_semaphore, #tpu.memory_space<semaphore_mem>>) src(%arg17 : memref<32x256xf32, #tpu.memory_space<vmem>>) dst(%dma_wait3A_464 : memref<32x256xf32, #tpu.memory_space<hbm>>)
      } else {
      }
      %add3A_221 = arith.constant 3 : i32
      %add3A_222 = arith.addi %add3A_215, %add3A_221 : i32
      %lt3A_223 = arith.constant 128 : i32
      %lt3A_224 = arith.cmpi slt, %add3A_222, %lt3A_223 : i32
      %convert_element_type3A_225 = arith.extui %lt3A_224 : i1 to i32
      %cond3A_226 = arith.constant 0 : i32
      %cond3A_227 = arith.cmpi ne, %convert_element_type3A_225, %cond3A_226 : i32
      scf.if %cond3A_227 {
        %add3A_448 = arith.constant 3 : i32
        %add3A_449 = arith.addi %add3A_215, %add3A_448 : i32
        %mul3A_450 = arith.constant 32 : i32
        %mul3A_451 = arith.muli %add3A_449, %mul3A_450 : i32
        %dma_start3A_452 = tpu.memref_slice %arg9[%mul3A_451] : memref<4096xi32, #tpu.memory_space<vmem>> -> memref<32xi32, #tpu.memory_space<vmem>>
        %dma_start3A_453 = arith.constant 0 : i32
        %dma_start3A_454 = arith.constant 0 : i32
        %dma_start3A_455 = tpu.memref_slice %arg2[%select_n3A, %dma_start3A_453, %dma_start3A_454] : memref<4x32768x256xf32, #tpu.memory_space<hbm>> -> memref<1x32768x256xf32, #tpu.memory_space<hbm>>
        %dma_start3A_456 = tpu.memref_squeeze %dma_start3A_455 : memref<1x32768x256xf32, #tpu.memory_space<hbm>> -> memref<32768x256xf32, #tpu.memory_space<hbm>>
        %dma_start3A_457 = arith.constant 0 : i32
        %dma_start3A_458 = arith.constant 0 : i32
        %dma_start3A_459 = tpu.memref_slice %dma_start3A_456[%dma_start3A_457, %dma_start3A_458] : memref<32768x256xf32, #tpu.memory_space<hbm>> -> memref<32768x256xf32, #tpu.memory_space<hbm>>
        tpu.enqueue_indirect_dma source(%dma_start3A_459 : memref<32768x256xf32, #tpu.memory_space<hbm>>) target(%arg17 : memref<32x256xf32, #tpu.memory_space<vmem>>) offsets(%dma_start3A_452 : memref<32xi32, #tpu.memory_space<vmem>>) semaphore(%arg25 : memref<!tpu.dma_semaphore, #tpu.memory_space<semaphore_mem>>)
      } else {
      }
      %mul3A_228 = arith.constant 32 : i32
      %mul3A_229 = arith.muli %add3A_215, %mul3A_228 : i32
      %dma_wait3A_230 = tpu.memref_slice %arg9[%mul3A_229] : memref<4096xi32, #tpu.memory_space<vmem>> -> memref<32xi32, #tpu.memory_space<vmem>>
      %dma_wait3A_231 = arith.constant 0 : i32
      %dma_wait3A_232 = arith.constant 0 : i32
      %dma_wait3A_233 = tpu.memref_slice %arg2[%select_n3A, %dma_wait3A_231, %dma_wait3A_232] : memref<4x32768x256xf32, #tpu.memory_space<hbm>> -> memref<1x32768x256xf32, #tpu.memory_space<hbm>>
      %dma_wait3A_234 = tpu.memref_squeeze %dma_wait3A_233 : memref<1x32768x256xf32, #tpu.memory_space<hbm>> -> memref<32768x256xf32, #tpu.memory_space<hbm>>
      %dma_wait3A_235 = arith.constant 0 : i32
      %dma_wait3A_236 = arith.constant 0 : i32
      %dma_wait3A_237 = tpu.memref_slice %dma_wait3A_234[%dma_wait3A_235, %dma_wait3A_236] : memref<32768x256xf32, #tpu.memory_space<hbm>> -> memref<32768x256xf32, #tpu.memory_space<hbm>>
      tpu.wait_indirect_dma semaphore(%arg22 : memref<!tpu.dma_semaphore, #tpu.memory_space<semaphore_mem>>) src(%dma_wait3A_237 : memref<32768x256xf32, #tpu.memory_space<hbm>>) dst(%arg14 : memref<32x256xf32, #tpu.memory_space<vmem>>)
      %mul3A_238 = arith.constant 32 : i32
      %mul3A_239 = arith.muli %add3A_215, %mul3A_238 : i32
      %add3A_240 = arith.addi %mul3A_32, %mul3A_239 : i32
      %dma_start3A_241 = arith.constant 0 : i32
      %dma_start3A_242 = arith.constant 0 : i32
      %dma_start3A_243 = tpu.memref_slice %arg6[%select_n3A, %dma_start3A_241, %dma_start3A_242] : memref<4x32768x256xf32, #tpu.memory_space<hbm>> -> memref<1x32768x256xf32, #tpu.memory_space<hbm>>
      %dma_start3A_244 = tpu.memref_squeeze %dma_start3A_243 : memref<1x32768x256xf32, #tpu.memory_space<hbm>> -> memref<32768x256xf32, #tpu.memory_space<hbm>>
      %dma_start3A_245 = arith.constant 0 : i32
      %dma_start3A_246 = tpu.memref_slice %dma_start3A_244[%add3A_240, %dma_start3A_245] : memref<32768x256xf32, #tpu.memory_space<hbm>> -> memref<32x256xf32, #tpu.memory_space<hbm>>
      %dma_start3A_247 = arith.constant 0 : i32
      %dma_start3A_248 = arith.constant 0 : i32
      %dma_start3A_249 = tpu.memref_slice %arg6[%select_n3A, %dma_start3A_247, %dma_start3A_248] : memref<4x32768x256xf32, #tpu.memory_space<hbm>> -> memref<1x32768x256xf32, #tpu.memory_space<hbm>>
      %dma_start3A_250 = tpu.memref_squeeze %dma_start3A_249 : memref<1x32768x256xf32, #tpu.memory_space<hbm>> -> memref<32768x256xf32, #tpu.memory_space<hbm>>
      %dma_start3A_251 = arith.constant 0 : i32
      %dma_start3A_252 = tpu.memref_slice %dma_start3A_250[%add3A_240, %dma_start3A_251] : memref<32768x256xf32, #tpu.memory_space<hbm>> -> memref<32x256xf32, #tpu.memory_space<hbm>>
      tpu.enqueue_dma source(%arg14 : memref<32x256xf32, #tpu.memory_space<vmem>>) target(%dma_start3A_252 : memref<32x256xf32, #tpu.memory_space<hbm>>) target_semaphore(%arg30 : memref<!tpu.dma_semaphore, #tpu.memory_space<semaphore_mem>>)
      %add3A_253 = arith.constant 3 : i32
      %add3A_254 = arith.addi %add3A_138, %add3A_253 : i32
      %ge3A_255 = arith.constant 5 : i32
      %ge3A_256 = arith.cmpi sge, %add3A_254, %ge3A_255 : i32
      %convert_element_type3A_257 = arith.extui %ge3A_256 : i1 to i32
      %cond3A_258 = arith.constant 0 : i32
      %cond3A_259 = arith.cmpi ne, %convert_element_type3A_257, %cond3A_258 : i32
      scf.if %cond3A_259 {
        %sub3A_448 = arith.constant 5 : i32
        %sub3A_449 = arith.subi %add3A_254, %sub3A_448 : i32
        %mul3A_450 = arith.constant 32 : i32
        %mul3A_451 = arith.muli %sub3A_449, %mul3A_450 : i32
        %add3A_452 = arith.addi %mul3A_32, %mul3A_451 : i32
        %dma_wait3A_453 = arith.constant 0 : i32
        %dma_wait3A_454 = arith.constant 0 : i32
        %dma_wait3A_455 = tpu.memref_slice %arg6[%select_n3A, %dma_wait3A_453, %dma_wait3A_454] : memref<4x32768x256xf32, #tpu.memory_space<hbm>> -> memref<1x32768x256xf32, #tpu.memory_space<hbm>>
        %dma_wait3A_456 = tpu.memref_squeeze %dma_wait3A_455 : memref<1x32768x256xf32, #tpu.memory_space<hbm>> -> memref<32768x256xf32, #tpu.memory_space<hbm>>
        %dma_wait3A_457 = arith.constant 0 : i32
        %dma_wait3A_458 = tpu.memref_slice %dma_wait3A_456[%add3A_452, %dma_wait3A_457] : memref<32768x256xf32, #tpu.memory_space<hbm>> -> memref<32x256xf32, #tpu.memory_space<hbm>>
        %dma_wait3A_459 = arith.constant 0 : i32
        %dma_wait3A_460 = arith.constant 0 : i32
        %dma_wait3A_461 = tpu.memref_slice %arg6[%select_n3A, %dma_wait3A_459, %dma_wait3A_460] : memref<4x32768x256xf32, #tpu.memory_space<hbm>> -> memref<1x32768x256xf32, #tpu.memory_space<hbm>>
        %dma_wait3A_462 = tpu.memref_squeeze %dma_wait3A_461 : memref<1x32768x256xf32, #tpu.memory_space<hbm>> -> memref<32768x256xf32, #tpu.memory_space<hbm>>
        %dma_wait3A_463 = arith.constant 0 : i32
        %dma_wait3A_464 = tpu.memref_slice %dma_wait3A_462[%add3A_452, %dma_wait3A_463] : memref<32768x256xf32, #tpu.memory_space<hbm>> -> memref<32x256xf32, #tpu.memory_space<hbm>>
        tpu.wait_dma2 semaphore(%arg34 : memref<!tpu.dma_semaphore, #tpu.memory_space<semaphore_mem>>) src(%arg18 : memref<32x256xf32, #tpu.memory_space<vmem>>) dst(%dma_wait3A_464 : memref<32x256xf32, #tpu.memory_space<hbm>>)
      } else {
      }
      %add3A_260 = arith.constant 3 : i32
      %add3A_261 = arith.addi %add3A_254, %add3A_260 : i32
      %lt3A_262 = arith.constant 128 : i32
      %lt3A_263 = arith.cmpi slt, %add3A_261, %lt3A_262 : i32
      %convert_element_type3A_264 = arith.extui %lt3A_263 : i1 to i32
      %cond3A_265 = arith.constant 0 : i32
      %cond3A_266 = arith.cmpi ne, %convert_element_type3A_264, %cond3A_265 : i32
      scf.if %cond3A_266 {
        %add3A_448 = arith.constant 3 : i32
        %add3A_449 = arith.addi %add3A_254, %add3A_448 : i32
        %mul3A_450 = arith.constant 32 : i32
        %mul3A_451 = arith.muli %add3A_449, %mul3A_450 : i32
        %dma_start3A_452 = tpu.memref_slice %arg9[%mul3A_451] : memref<4096xi32, #tpu.memory_space<vmem>> -> memref<32xi32, #tpu.memory_space<vmem>>
        %dma_start3A_453 = arith.constant 0 : i32
        %dma_start3A_454 = arith.constant 0 : i32
        %dma_start3A_455 = tpu.memref_slice %arg2[%select_n3A, %dma_start3A_453, %dma_start3A_454] : memref<4x32768x256xf32, #tpu.memory_space<hbm>> -> memref<1x32768x256xf32, #tpu.memory_space<hbm>>
        %dma_start3A_456 = tpu.memref_squeeze %dma_start3A_455 : memref<1x32768x256xf32, #tpu.memory_space<hbm>> -> memref<32768x256xf32, #tpu.memory_space<hbm>>
        %dma_start3A_457 = arith.constant 0 : i32
        %dma_start3A_458 = arith.constant 0 : i32
        %dma_start3A_459 = tpu.memref_slice %dma_start3A_456[%dma_start3A_457, %dma_start3A_458] : memref<32768x256xf32, #tpu.memory_space<hbm>> -> memref<32768x256xf32, #tpu.memory_space<hbm>>
        tpu.enqueue_indirect_dma source(%dma_start3A_459 : memref<32768x256xf32, #tpu.memory_space<hbm>>) target(%arg18 : memref<32x256xf32, #tpu.memory_space<vmem>>) offsets(%dma_start3A_452 : memref<32xi32, #tpu.memory_space<vmem>>) semaphore(%arg26 : memref<!tpu.dma_semaphore, #tpu.memory_space<semaphore_mem>>)
      } else {
      }
      %mul3A_267 = arith.constant 32 : i32
      %mul3A_268 = arith.muli %add3A_254, %mul3A_267 : i32
      %dma_wait3A_269 = tpu.memref_slice %arg9[%mul3A_268] : memref<4096xi32, #tpu.memory_space<vmem>> -> memref<32xi32, #tpu.memory_space<vmem>>
      %dma_wait3A_270 = arith.constant 0 : i32
      %dma_wait3A_271 = arith.constant 0 : i32
      %dma_wait3A_272 = tpu.memref_slice %arg2[%select_n3A, %dma_wait3A_270, %dma_wait3A_271] : memref<4x32768x256xf32, #tpu.memory_space<hbm>> -> memref<1x32768x256xf32, #tpu.memory_space<hbm>>
      %dma_wait3A_273 = tpu.memref_squeeze %dma_wait3A_272 : memref<1x32768x256xf32, #tpu.memory_space<hbm>> -> memref<32768x256xf32, #tpu.memory_space<hbm>>
      %dma_wait3A_274 = arith.constant 0 : i32
      %dma_wait3A_275 = arith.constant 0 : i32
      %dma_wait3A_276 = tpu.memref_slice %dma_wait3A_273[%dma_wait3A_274, %dma_wait3A_275] : memref<32768x256xf32, #tpu.memory_space<hbm>> -> memref<32768x256xf32, #tpu.memory_space<hbm>>
      tpu.wait_indirect_dma semaphore(%arg23 : memref<!tpu.dma_semaphore, #tpu.memory_space<semaphore_mem>>) src(%dma_wait3A_276 : memref<32768x256xf32, #tpu.memory_space<hbm>>) dst(%arg15 : memref<32x256xf32, #tpu.memory_space<vmem>>)
      %mul3A_277 = arith.constant 32 : i32
      %mul3A_278 = arith.muli %add3A_254, %mul3A_277 : i32
      %add3A_279 = arith.addi %mul3A_32, %mul3A_278 : i32
      %dma_start3A_280 = arith.constant 0 : i32
      %dma_start3A_281 = arith.constant 0 : i32
      %dma_start3A_282 = tpu.memref_slice %arg6[%select_n3A, %dma_start3A_280, %dma_start3A_281] : memref<4x32768x256xf32, #tpu.memory_space<hbm>> -> memref<1x32768x256xf32, #tpu.memory_space<hbm>>
      %dma_start3A_283 = tpu.memref_squeeze %dma_start3A_282 : memref<1x32768x256xf32, #tpu.memory_space<hbm>> -> memref<32768x256xf32, #tpu.memory_space<hbm>>
      %dma_start3A_284 = arith.constant 0 : i32
      %dma_start3A_285 = tpu.memref_slice %dma_start3A_283[%add3A_279, %dma_start3A_284] : memref<32768x256xf32, #tpu.memory_space<hbm>> -> memref<32x256xf32, #tpu.memory_space<hbm>>
      %dma_start3A_286 = arith.constant 0 : i32
      %dma_start3A_287 = arith.constant 0 : i32
      %dma_start3A_288 = tpu.memref_slice %arg6[%select_n3A, %dma_start3A_286, %dma_start3A_287] : memref<4x32768x256xf32, #tpu.memory_space<hbm>> -> memref<1x32768x256xf32, #tpu.memory_space<hbm>>
      %dma_start3A_289 = tpu.memref_squeeze %dma_start3A_288 : memref<1x32768x256xf32, #tpu.memory_space<hbm>> -> memref<32768x256xf32, #tpu.memory_space<hbm>>
      %dma_start3A_290 = arith.constant 0 : i32
      %dma_start3A_291 = tpu.memref_slice %dma_start3A_289[%add3A_279, %dma_start3A_290] : memref<32768x256xf32, #tpu.memory_space<hbm>> -> memref<32x256xf32, #tpu.memory_space<hbm>>
      tpu.enqueue_dma source(%arg15 : memref<32x256xf32, #tpu.memory_space<vmem>>) target(%dma_start3A_291 : memref<32x256xf32, #tpu.memory_space<hbm>>) target_semaphore(%arg31 : memref<!tpu.dma_semaphore, #tpu.memory_space<semaphore_mem>>)
      %add3A_292 = arith.constant 4 : i32
      %add3A_293 = arith.addi %add3A_138, %add3A_292 : i32
      %ge3A_294 = arith.constant 5 : i32
      %ge3A_295 = arith.cmpi sge, %add3A_293, %ge3A_294 : i32
      %convert_element_type3A_296 = arith.extui %ge3A_295 : i1 to i32
      %cond3A_297 = arith.constant 0 : i32
      %cond3A_298 = arith.cmpi ne, %convert_element_type3A_296, %cond3A_297 : i32
      scf.if %cond3A_298 {
        %sub3A_448 = arith.constant 5 : i32
        %sub3A_449 = arith.subi %add3A_293, %sub3A_448 : i32
        %mul3A_450 = arith.constant 32 : i32
        %mul3A_451 = arith.muli %sub3A_449, %mul3A_450 : i32
        %add3A_452 = arith.addi %mul3A_32, %mul3A_451 : i32
        %dma_wait3A_453 = arith.constant 0 : i32
        %dma_wait3A_454 = arith.constant 0 : i32
        %dma_wait3A_455 = tpu.memref_slice %arg6[%select_n3A, %dma_wait3A_453, %dma_wait3A_454] : memref<4x32768x256xf32, #tpu.memory_space<hbm>> -> memref<1x32768x256xf32, #tpu.memory_space<hbm>>
        %dma_wait3A_456 = tpu.memref_squeeze %dma_wait3A_455 : memref<1x32768x256xf32, #tpu.memory_space<hbm>> -> memref<32768x256xf32, #tpu.memory_space<hbm>>
        %dma_wait3A_457 = arith.constant 0 : i32
        %dma_wait3A_458 = tpu.memref_slice %dma_wait3A_456[%add3A_452, %dma_wait3A_457] : memref<32768x256xf32, #tpu.memory_space<hbm>> -> memref<32x256xf32, #tpu.memory_space<hbm>>
        %dma_wait3A_459 = arith.constant 0 : i32
        %dma_wait3A_460 = arith.constant 0 : i32
        %dma_wait3A_461 = tpu.memref_slice %arg6[%select_n3A, %dma_wait3A_459, %dma_wait3A_460] : memref<4x32768x256xf32, #tpu.memory_space<hbm>> -> memref<1x32768x256xf32, #tpu.memory_space<hbm>>
        %dma_wait3A_462 = tpu.memref_squeeze %dma_wait3A_461 : memref<1x32768x256xf32, #tpu.memory_space<hbm>> -> memref<32768x256xf32, #tpu.memory_space<hbm>>
        %dma_wait3A_463 = arith.constant 0 : i32
        %dma_wait3A_464 = tpu.memref_slice %dma_wait3A_462[%add3A_452, %dma_wait3A_463] : memref<32768x256xf32, #tpu.memory_space<hbm>> -> memref<32x256xf32, #tpu.memory_space<hbm>>
        tpu.wait_dma2 semaphore(%arg35 : memref<!tpu.dma_semaphore, #tpu.memory_space<semaphore_mem>>) src(%arg19 : memref<32x256xf32, #tpu.memory_space<vmem>>) dst(%dma_wait3A_464 : memref<32x256xf32, #tpu.memory_space<hbm>>)
      } else {
      }
      %add3A_299 = arith.constant 3 : i32
      %add3A_300 = arith.addi %add3A_293, %add3A_299 : i32
      %lt3A_301 = arith.constant 128 : i32
      %lt3A_302 = arith.cmpi slt, %add3A_300, %lt3A_301 : i32
      %convert_element_type3A_303 = arith.extui %lt3A_302 : i1 to i32
      %cond3A_304 = arith.constant 0 : i32
      %cond3A_305 = arith.cmpi ne, %convert_element_type3A_303, %cond3A_304 : i32
      scf.if %cond3A_305 {
        %add3A_448 = arith.constant 3 : i32
        %add3A_449 = arith.addi %add3A_293, %add3A_448 : i32
        %mul3A_450 = arith.constant 32 : i32
        %mul3A_451 = arith.muli %add3A_449, %mul3A_450 : i32
        %dma_start3A_452 = tpu.memref_slice %arg9[%mul3A_451] : memref<4096xi32, #tpu.memory_space<vmem>> -> memref<32xi32, #tpu.memory_space<vmem>>
        %dma_start3A_453 = arith.constant 0 : i32
        %dma_start3A_454 = arith.constant 0 : i32
        %dma_start3A_455 = tpu.memref_slice %arg2[%select_n3A, %dma_start3A_453, %dma_start3A_454] : memref<4x32768x256xf32, #tpu.memory_space<hbm>> -> memref<1x32768x256xf32, #tpu.memory_space<hbm>>
        %dma_start3A_456 = tpu.memref_squeeze %dma_start3A_455 : memref<1x32768x256xf32, #tpu.memory_space<hbm>> -> memref<32768x256xf32, #tpu.memory_space<hbm>>
        %dma_start3A_457 = arith.constant 0 : i32
        %dma_start3A_458 = arith.constant 0 : i32
        %dma_start3A_459 = tpu.memref_slice %dma_start3A_456[%dma_start3A_457, %dma_start3A_458] : memref<32768x256xf32, #tpu.memory_space<hbm>> -> memref<32768x256xf32, #tpu.memory_space<hbm>>
        tpu.enqueue_indirect_dma source(%dma_start3A_459 : memref<32768x256xf32, #tpu.memory_space<hbm>>) target(%arg19 : memref<32x256xf32, #tpu.memory_space<vmem>>) offsets(%dma_start3A_452 : memref<32xi32, #tpu.memory_space<vmem>>) semaphore(%arg27 : memref<!tpu.dma_semaphore, #tpu.memory_space<semaphore_mem>>)
      } else {
      }
      %mul3A_306 = arith.constant 32 : i32
      %mul3A_307 = arith.muli %add3A_293, %mul3A_306 : i32
      %dma_wait3A_308 = tpu.memref_slice %arg9[%mul3A_307] : memref<4096xi32, #tpu.memory_space<vmem>> -> memref<32xi32, #tpu.memory_space<vmem>>
      %dma_wait3A_309 = arith.constant 0 : i32
      %dma_wait3A_310 = arith.constant 0 : i32
      %dma_wait3A_311 = tpu.memref_slice %arg2[%select_n3A, %dma_wait3A_309, %dma_wait3A_310] : memref<4x32768x256xf32, #tpu.memory_space<hbm>> -> memref<1x32768x256xf32, #tpu.memory_space<hbm>>
      %dma_wait3A_312 = tpu.memref_squeeze %dma_wait3A_311 : memref<1x32768x256xf32, #tpu.memory_space<hbm>> -> memref<32768x256xf32, #tpu.memory_space<hbm>>
      %dma_wait3A_313 = arith.constant 0 : i32
      %dma_wait3A_314 = arith.constant 0 : i32
      %dma_wait3A_315 = tpu.memref_slice %dma_wait3A_312[%dma_wait3A_313, %dma_wait3A_314] : memref<32768x256xf32, #tpu.memory_space<hbm>> -> memref<32768x256xf32, #tpu.memory_space<hbm>>
      tpu.wait_indirect_dma semaphore(%arg24 : memref<!tpu.dma_semaphore, #tpu.memory_space<semaphore_mem>>) src(%dma_wait3A_315 : memref<32768x256xf32, #tpu.memory_space<hbm>>) dst(%arg16 : memref<32x256xf32, #tpu.memory_space<vmem>>)
      %mul3A_316 = arith.constant 32 : i32
      %mul3A_317 = arith.muli %add3A_293, %mul3A_316 : i32
      %add3A_318 = arith.addi %mul3A_32, %mul3A_317 : i32
      %dma_start3A_319 = arith.constant 0 : i32
      %dma_start3A_320 = arith.constant 0 : i32
      %dma_start3A_321 = tpu.memref_slice %arg6[%select_n3A, %dma_start3A_319, %dma_start3A_320] : memref<4x32768x256xf32, #tpu.memory_space<hbm>> -> memref<1x32768x256xf32, #tpu.memory_space<hbm>>
      %dma_start3A_322 = tpu.memref_squeeze %dma_start3A_321 : memref<1x32768x256xf32, #tpu.memory_space<hbm>> -> memref<32768x256xf32, #tpu.memory_space<hbm>>
      %dma_start3A_323 = arith.constant 0 : i32
      %dma_start3A_324 = tpu.memref_slice %dma_start3A_322[%add3A_318, %dma_start3A_323] : memref<32768x256xf32, #tpu.memory_space<hbm>> -> memref<32x256xf32, #tpu.memory_space<hbm>>
      %dma_start3A_325 = arith.constant 0 : i32
      %dma_start3A_326 = arith.constant 0 : i32
      %dma_start3A_327 = tpu.memref_slice %arg6[%select_n3A, %dma_start3A_325, %dma_start3A_326] : memref<4x32768x256xf32, #tpu.memory_space<hbm>> -> memref<1x32768x256xf32, #tpu.memory_space<hbm>>
      %dma_start3A_328 = tpu.memref_squeeze %dma_start3A_327 : memref<1x32768x256xf32, #tpu.memory_space<hbm>> -> memref<32768x256xf32, #tpu.memory_space<hbm>>
      %dma_start3A_329 = arith.constant 0 : i32
      %dma_start3A_330 = tpu.memref_slice %dma_start3A_328[%add3A_318, %dma_start3A_329] : memref<32768x256xf32, #tpu.memory_space<hbm>> -> memref<32x256xf32, #tpu.memory_space<hbm>>
      tpu.enqueue_dma source(%arg16 : memref<32x256xf32, #tpu.memory_space<vmem>>) target(%dma_start3A_330 : memref<32x256xf32, #tpu.memory_space<hbm>>) target_semaphore(%arg32 : memref<!tpu.dma_semaphore, #tpu.memory_space<semaphore_mem>>)
      %add3A_331 = arith.constant 5 : i32
      %add3A_332 = arith.addi %add3A_138, %add3A_331 : i32
      %ge3A_333 = arith.constant 5 : i32
      %ge3A_334 = arith.cmpi sge, %add3A_332, %ge3A_333 : i32
      %convert_element_type3A_335 = arith.extui %ge3A_334 : i1 to i32
      %cond3A_336 = arith.constant 0 : i32
      %cond3A_337 = arith.cmpi ne, %convert_element_type3A_335, %cond3A_336 : i32
      scf.if %cond3A_337 {
        %sub3A_448 = arith.constant 5 : i32
        %sub3A_449 = arith.subi %add3A_332, %sub3A_448 : i32
        %mul3A_450 = arith.constant 32 : i32
        %mul3A_451 = arith.muli %sub3A_449, %mul3A_450 : i32
        %add3A_452 = arith.addi %mul3A_32, %mul3A_451 : i32
        %dma_wait3A_453 = arith.constant 0 : i32
        %dma_wait3A_454 = arith.constant 0 : i32
        %dma_wait3A_455 = tpu.memref_slice %arg6[%select_n3A, %dma_wait3A_453, %dma_wait3A_454] : memref<4x32768x256xf32, #tpu.memory_space<hbm>> -> memref<1x32768x256xf32, #tpu.memory_space<hbm>>
        %dma_wait3A_456 = tpu.memref_squeeze %dma_wait3A_455 : memref<1x32768x256xf32, #tpu.memory_space<hbm>> -> memref<32768x256xf32, #tpu.memory_space<hbm>>
        %dma_wait3A_457 = arith.constant 0 : i32
        %dma_wait3A_458 = tpu.memref_slice %dma_wait3A_456[%add3A_452, %dma_wait3A_457] : memref<32768x256xf32, #tpu.memory_space<hbm>> -> memref<32x256xf32, #tpu.memory_space<hbm>>
        %dma_wait3A_459 = arith.constant 0 : i32
        %dma_wait3A_460 = arith.constant 0 : i32
        %dma_wait3A_461 = tpu.memref_slice %arg6[%select_n3A, %dma_wait3A_459, %dma_wait3A_460] : memref<4x32768x256xf32, #tpu.memory_space<hbm>> -> memref<1x32768x256xf32, #tpu.memory_space<hbm>>
        %dma_wait3A_462 = tpu.memref_squeeze %dma_wait3A_461 : memref<1x32768x256xf32, #tpu.memory_space<hbm>> -> memref<32768x256xf32, #tpu.memory_space<hbm>>
        %dma_wait3A_463 = arith.constant 0 : i32
        %dma_wait3A_464 = tpu.memref_slice %dma_wait3A_462[%add3A_452, %dma_wait3A_463] : memref<32768x256xf32, #tpu.memory_space<hbm>> -> memref<32x256xf32, #tpu.memory_space<hbm>>
        tpu.wait_dma2 semaphore(%arg28 : memref<!tpu.dma_semaphore, #tpu.memory_space<semaphore_mem>>) src(%arg12 : memref<32x256xf32, #tpu.memory_space<vmem>>) dst(%dma_wait3A_464 : memref<32x256xf32, #tpu.memory_space<hbm>>)
      } else {
      }
      %add3A_338 = arith.constant 3 : i32
      %add3A_339 = arith.addi %add3A_332, %add3A_338 : i32
      %lt3A_340 = arith.constant 128 : i32
      %lt3A_341 = arith.cmpi slt, %add3A_339, %lt3A_340 : i32
      %convert_element_type3A_342 = arith.extui %lt3A_341 : i1 to i32
      %cond3A_343 = arith.constant 0 : i32
      %cond3A_344 = arith.cmpi ne, %convert_element_type3A_342, %cond3A_343 : i32
      scf.if %cond3A_344 {
        %add3A_448 = arith.constant 3 : i32
        %add3A_449 = arith.addi %add3A_332, %add3A_448 : i32
        %mul3A_450 = arith.constant 32 : i32
        %mul3A_451 = arith.muli %add3A_449, %mul3A_450 : i32
        %dma_start3A_452 = tpu.memref_slice %arg9[%mul3A_451] : memref<4096xi32, #tpu.memory_space<vmem>> -> memref<32xi32, #tpu.memory_space<vmem>>
        %dma_start3A_453 = arith.constant 0 : i32
        %dma_start3A_454 = arith.constant 0 : i32
        %dma_start3A_455 = tpu.memref_slice %arg2[%select_n3A, %dma_start3A_453, %dma_start3A_454] : memref<4x32768x256xf32, #tpu.memory_space<hbm>> -> memref<1x32768x256xf32, #tpu.memory_space<hbm>>
        %dma_start3A_456 = tpu.memref_squeeze %dma_start3A_455 : memref<1x32768x256xf32, #tpu.memory_space<hbm>> -> memref<32768x256xf32, #tpu.memory_space<hbm>>
        %dma_start3A_457 = arith.constant 0 : i32
        %dma_start3A_458 = arith.constant 0 : i32
        %dma_start3A_459 = tpu.memref_slice %dma_start3A_456[%dma_start3A_457, %dma_start3A_458] : memref<32768x256xf32, #tpu.memory_space<hbm>> -> memref<32768x256xf32, #tpu.memory_space<hbm>>
        tpu.enqueue_indirect_dma source(%dma_start3A_459 : memref<32768x256xf32, #tpu.memory_space<hbm>>) target(%arg12 : memref<32x256xf32, #tpu.memory_space<vmem>>) offsets(%dma_start3A_452 : memref<32xi32, #tpu.memory_space<vmem>>) semaphore(%arg20 : memref<!tpu.dma_semaphore, #tpu.memory_space<semaphore_mem>>)
      } else {
      }
      %mul3A_345 = arith.constant 32 : i32
      %mul3A_346 = arith.muli %add3A_332, %mul3A_345 : i32
      %dma_wait3A_347 = tpu.memref_slice %arg9[%mul3A_346] : memref<4096xi32, #tpu.memory_space<vmem>> -> memref<32xi32, #tpu.memory_space<vmem>>
      %dma_wait3A_348 = arith.constant 0 : i32
      %dma_wait3A_349 = arith.constant 0 : i32
      %dma_wait3A_350 = tpu.memref_slice %arg2[%select_n3A, %dma_wait3A_348, %dma_wait3A_349] : memref<4x32768x256xf32, #tpu.memory_space<hbm>> -> memref<1x32768x256xf32, #tpu.memory_space<hbm>>
      %dma_wait3A_351 = tpu.memref_squeeze %dma_wait3A_350 : memref<1x32768x256xf32, #tpu.memory_space<hbm>> -> memref<32768x256xf32, #tpu.memory_space<hbm>>
      %dma_wait3A_352 = arith.constant 0 : i32
      %dma_wait3A_353 = arith.constant 0 : i32
      %dma_wait3A_354 = tpu.memref_slice %dma_wait3A_351[%dma_wait3A_352, %dma_wait3A_353] : memref<32768x256xf32, #tpu.memory_space<hbm>> -> memref<32768x256xf32, #tpu.memory_space<hbm>>
      tpu.wait_indirect_dma semaphore(%arg25 : memref<!tpu.dma_semaphore, #tpu.memory_space<semaphore_mem>>) src(%dma_wait3A_354 : memref<32768x256xf32, #tpu.memory_space<hbm>>) dst(%arg17 : memref<32x256xf32, #tpu.memory_space<vmem>>)
      %mul3A_355 = arith.constant 32 : i32
      %mul3A_356 = arith.muli %add3A_332, %mul3A_355 : i32
      %add3A_357 = arith.addi %mul3A_32, %mul3A_356 : i32
      %dma_start3A_358 = arith.constant 0 : i32
      %dma_start3A_359 = arith.constant 0 : i32
      %dma_start3A_360 = tpu.memref_slice %arg6[%select_n3A, %dma_start3A_358, %dma_start3A_359] : memref<4x32768x256xf32, #tpu.memory_space<hbm>> -> memref<1x32768x256xf32, #tpu.memory_space<hbm>>
      %dma_start3A_361 = tpu.memref_squeeze %dma_start3A_360 : memref<1x32768x256xf32, #tpu.memory_space<hbm>> -> memref<32768x256xf32, #tpu.memory_space<hbm>>
      %dma_start3A_362 = arith.constant 0 : i32
      %dma_start3A_363 = tpu.memref_slice %dma_start3A_361[%add3A_357, %dma_start3A_362] : memref<32768x256xf32, #tpu.memory_space<hbm>> -> memref<32x256xf32, #tpu.memory_space<hbm>>
      %dma_start3A_364 = arith.constant 0 : i32
      %dma_start3A_365 = arith.constant 0 : i32
      %dma_start3A_366 = tpu.memref_slice %arg6[%select_n3A, %dma_start3A_364, %dma_start3A_365] : memref<4x32768x256xf32, #tpu.memory_space<hbm>> -> memref<1x32768x256xf32, #tpu.memory_space<hbm>>
      %dma_start3A_367 = tpu.memref_squeeze %dma_start3A_366 : memref<1x32768x256xf32, #tpu.memory_space<hbm>> -> memref<32768x256xf32, #tpu.memory_space<hbm>>
      %dma_start3A_368 = arith.constant 0 : i32
      %dma_start3A_369 = tpu.memref_slice %dma_start3A_367[%add3A_357, %dma_start3A_368] : memref<32768x256xf32, #tpu.memory_space<hbm>> -> memref<32x256xf32, #tpu.memory_space<hbm>>
      tpu.enqueue_dma source(%arg17 : memref<32x256xf32, #tpu.memory_space<vmem>>) target(%dma_start3A_369 : memref<32x256xf32, #tpu.memory_space<hbm>>) target_semaphore(%arg33 : memref<!tpu.dma_semaphore, #tpu.memory_space<semaphore_mem>>)
      %add3A_370 = arith.constant 6 : i32
      %add3A_371 = arith.addi %add3A_138, %add3A_370 : i32
      %ge3A_372 = arith.constant 5 : i32
      %ge3A_373 = arith.cmpi sge, %add3A_371, %ge3A_372 : i32
      %convert_element_type3A_374 = arith.extui %ge3A_373 : i1 to i32
      %cond3A_375 = arith.constant 0 : i32
      %cond3A_376 = arith.cmpi ne, %convert_element_type3A_374, %cond3A_375 : i32
      scf.if %cond3A_376 {
        %sub3A_448 = arith.constant 5 : i32
        %sub3A_449 = arith.subi %add3A_371, %sub3A_448 : i32
        %mul3A_450 = arith.constant 32 : i32
        %mul3A_451 = arith.muli %sub3A_449, %mul3A_450 : i32
        %add3A_452 = arith.addi %mul3A_32, %mul3A_451 : i32
        %dma_wait3A_453 = arith.constant 0 : i32
        %dma_wait3A_454 = arith.constant 0 : i32
        %dma_wait3A_455 = tpu.memref_slice %arg6[%select_n3A, %dma_wait3A_453, %dma_wait3A_454] : memref<4x32768x256xf32, #tpu.memory_space<hbm>> -> memref<1x32768x256xf32, #tpu.memory_space<hbm>>
        %dma_wait3A_456 = tpu.memref_squeeze %dma_wait3A_455 : memref<1x32768x256xf32, #tpu.memory_space<hbm>> -> memref<32768x256xf32, #tpu.memory_space<hbm>>
        %dma_wait3A_457 = arith.constant 0 : i32
        %dma_wait3A_458 = tpu.memref_slice %dma_wait3A_456[%add3A_452, %dma_wait3A_457] : memref<32768x256xf32, #tpu.memory_space<hbm>> -> memref<32x256xf32, #tpu.memory_space<hbm>>
        %dma_wait3A_459 = arith.constant 0 : i32
        %dma_wait3A_460 = arith.constant 0 : i32
        %dma_wait3A_461 = tpu.memref_slice %arg6[%select_n3A, %dma_wait3A_459, %dma_wait3A_460] : memref<4x32768x256xf32, #tpu.memory_space<hbm>> -> memref<1x32768x256xf32, #tpu.memory_space<hbm>>
        %dma_wait3A_462 = tpu.memref_squeeze %dma_wait3A_461 : memref<1x32768x256xf32, #tpu.memory_space<hbm>> -> memref<32768x256xf32, #tpu.memory_space<hbm>>
        %dma_wait3A_463 = arith.constant 0 : i32
        %dma_wait3A_464 = tpu.memref_slice %dma_wait3A_462[%add3A_452, %dma_wait3A_463] : memref<32768x256xf32, #tpu.memory_space<hbm>> -> memref<32x256xf32, #tpu.memory_space<hbm>>
        tpu.wait_dma2 semaphore(%arg29 : memref<!tpu.dma_semaphore, #tpu.memory_space<semaphore_mem>>) src(%arg13 : memref<32x256xf32, #tpu.memory_space<vmem>>) dst(%dma_wait3A_464 : memref<32x256xf32, #tpu.memory_space<hbm>>)
      } else {
      }
      %add3A_377 = arith.constant 3 : i32
      %add3A_378 = arith.addi %add3A_371, %add3A_377 : i32
      %lt3A_379 = arith.constant 128 : i32
      %lt3A_380 = arith.cmpi slt, %add3A_378, %lt3A_379 : i32
      %convert_element_type3A_381 = arith.extui %lt3A_380 : i1 to i32
      %cond3A_382 = arith.constant 0 : i32
      %cond3A_383 = arith.cmpi ne, %convert_element_type3A_381, %cond3A_382 : i32
      scf.if %cond3A_383 {
        %add3A_448 = arith.constant 3 : i32
        %add3A_449 = arith.addi %add3A_371, %add3A_448 : i32
        %mul3A_450 = arith.constant 32 : i32
        %mul3A_451 = arith.muli %add3A_449, %mul3A_450 : i32
        %dma_start3A_452 = tpu.memref_slice %arg9[%mul3A_451] : memref<4096xi32, #tpu.memory_space<vmem>> -> memref<32xi32, #tpu.memory_space<vmem>>
        %dma_start3A_453 = arith.constant 0 : i32
        %dma_start3A_454 = arith.constant 0 : i32
        %dma_start3A_455 = tpu.memref_slice %arg2[%select_n3A, %dma_start3A_453, %dma_start3A_454] : memref<4x32768x256xf32, #tpu.memory_space<hbm>> -> memref<1x32768x256xf32, #tpu.memory_space<hbm>>
        %dma_start3A_456 = tpu.memref_squeeze %dma_start3A_455 : memref<1x32768x256xf32, #tpu.memory_space<hbm>> -> memref<32768x256xf32, #tpu.memory_space<hbm>>
        %dma_start3A_457 = arith.constant 0 : i32
        %dma_start3A_458 = arith.constant 0 : i32
        %dma_start3A_459 = tpu.memref_slice %dma_start3A_456[%dma_start3A_457, %dma_start3A_458] : memref<32768x256xf32, #tpu.memory_space<hbm>> -> memref<32768x256xf32, #tpu.memory_space<hbm>>
        tpu.enqueue_indirect_dma source(%dma_start3A_459 : memref<32768x256xf32, #tpu.memory_space<hbm>>) target(%arg13 : memref<32x256xf32, #tpu.memory_space<vmem>>) offsets(%dma_start3A_452 : memref<32xi32, #tpu.memory_space<vmem>>) semaphore(%arg21 : memref<!tpu.dma_semaphore, #tpu.memory_space<semaphore_mem>>)
      } else {
      }
      %mul3A_384 = arith.constant 32 : i32
      %mul3A_385 = arith.muli %add3A_371, %mul3A_384 : i32
      %dma_wait3A_386 = tpu.memref_slice %arg9[%mul3A_385] : memref<4096xi32, #tpu.memory_space<vmem>> -> memref<32xi32, #tpu.memory_space<vmem>>
      %dma_wait3A_387 = arith.constant 0 : i32
      %dma_wait3A_388 = arith.constant 0 : i32
      %dma_wait3A_389 = tpu.memref_slice %arg2[%select_n3A, %dma_wait3A_387, %dma_wait3A_388] : memref<4x32768x256xf32, #tpu.memory_space<hbm>> -> memref<1x32768x256xf32, #tpu.memory_space<hbm>>
      %dma_wait3A_390 = tpu.memref_squeeze %dma_wait3A_389 : memref<1x32768x256xf32, #tpu.memory_space<hbm>> -> memref<32768x256xf32, #tpu.memory_space<hbm>>
      %dma_wait3A_391 = arith.constant 0 : i32
      %dma_wait3A_392 = arith.constant 0 : i32
      %dma_wait3A_393 = tpu.memref_slice %dma_wait3A_390[%dma_wait3A_391, %dma_wait3A_392] : memref<32768x256xf32, #tpu.memory_space<hbm>> -> memref<32768x256xf32, #tpu.memory_space<hbm>>
      tpu.wait_indirect_dma semaphore(%arg26 : memref<!tpu.dma_semaphore, #tpu.memory_space<semaphore_mem>>) src(%dma_wait3A_393 : memref<32768x256xf32, #tpu.memory_space<hbm>>) dst(%arg18 : memref<32x256xf32, #tpu.memory_space<vmem>>)
      %mul3A_394 = arith.constant 32 : i32
      %mul3A_395 = arith.muli %add3A_371, %mul3A_394 : i32
      %add3A_396 = arith.addi %mul3A_32, %mul3A_395 : i32
      %dma_start3A_397 = arith.constant 0 : i32
      %dma_start3A_398 = arith.constant 0 : i32
      %dma_start3A_399 = tpu.memref_slice %arg6[%select_n3A, %dma_start3A_397, %dma_start3A_398] : memref<4x32768x256xf32, #tpu.memory_space<hbm>> -> memref<1x32768x256xf32, #tpu.memory_space<hbm>>
      %dma_start3A_400 = tpu.memref_squeeze %dma_start3A_399 : memref<1x32768x256xf32, #tpu.memory_space<hbm>> -> memref<32768x256xf32, #tpu.memory_space<hbm>>
      %dma_start3A_401 = arith.constant 0 : i32
      %dma_start3A_402 = tpu.memref_slice %dma_start3A_400[%add3A_396, %dma_start3A_401] : memref<32768x256xf32, #tpu.memory_space<hbm>> -> memref<32x256xf32, #tpu.memory_space<hbm>>
      %dma_start3A_403 = arith.constant 0 : i32
      %dma_start3A_404 = arith.constant 0 : i32
      %dma_start3A_405 = tpu.memref_slice %arg6[%select_n3A, %dma_start3A_403, %dma_start3A_404] : memref<4x32768x256xf32, #tpu.memory_space<hbm>> -> memref<1x32768x256xf32, #tpu.memory_space<hbm>>
      %dma_start3A_406 = tpu.memref_squeeze %dma_start3A_405 : memref<1x32768x256xf32, #tpu.memory_space<hbm>> -> memref<32768x256xf32, #tpu.memory_space<hbm>>
      %dma_start3A_407 = arith.constant 0 : i32
      %dma_start3A_408 = tpu.memref_slice %dma_start3A_406[%add3A_396, %dma_start3A_407] : memref<32768x256xf32, #tpu.memory_space<hbm>> -> memref<32x256xf32, #tpu.memory_space<hbm>>
      tpu.enqueue_dma source(%arg18 : memref<32x256xf32, #tpu.memory_space<vmem>>) target(%dma_start3A_408 : memref<32x256xf32, #tpu.memory_space<hbm>>) target_semaphore(%arg34 : memref<!tpu.dma_semaphore, #tpu.memory_space<semaphore_mem>>)
      %add3A_409 = arith.constant 7 : i32
      %add3A_410 = arith.addi %add3A_138, %add3A_409 : i32
      %ge3A_411 = arith.constant 5 : i32
      %ge3A_412 = arith.cmpi sge, %add3A_410, %ge3A_411 : i32
      %convert_element_type3A_413 = arith.extui %ge3A_412 : i1 to i32
      %cond3A_414 = arith.constant 0 : i32
      %cond3A_415 = arith.cmpi ne, %convert_element_type3A_413, %cond3A_414 : i32
      scf.if %cond3A_415 {
        %sub3A_448 = arith.constant 5 : i32
        %sub3A_449 = arith.subi %add3A_410, %sub3A_448 : i32
        %mul3A_450 = arith.constant 32 : i32
        %mul3A_451 = arith.muli %sub3A_449, %mul3A_450 : i32
        %add3A_452 = arith.addi %mul3A_32, %mul3A_451 : i32
        %dma_wait3A_453 = arith.constant 0 : i32
        %dma_wait3A_454 = arith.constant 0 : i32
        %dma_wait3A_455 = tpu.memref_slice %arg6[%select_n3A, %dma_wait3A_453, %dma_wait3A_454] : memref<4x32768x256xf32, #tpu.memory_space<hbm>> -> memref<1x32768x256xf32, #tpu.memory_space<hbm>>
        %dma_wait3A_456 = tpu.memref_squeeze %dma_wait3A_455 : memref<1x32768x256xf32, #tpu.memory_space<hbm>> -> memref<32768x256xf32, #tpu.memory_space<hbm>>
        %dma_wait3A_457 = arith.constant 0 : i32
        %dma_wait3A_458 = tpu.memref_slice %dma_wait3A_456[%add3A_452, %dma_wait3A_457] : memref<32768x256xf32, #tpu.memory_space<hbm>> -> memref<32x256xf32, #tpu.memory_space<hbm>>
        %dma_wait3A_459 = arith.constant 0 : i32
        %dma_wait3A_460 = arith.constant 0 : i32
        %dma_wait3A_461 = tpu.memref_slice %arg6[%select_n3A, %dma_wait3A_459, %dma_wait3A_460] : memref<4x32768x256xf32, #tpu.memory_space<hbm>> -> memref<1x32768x256xf32, #tpu.memory_space<hbm>>
        %dma_wait3A_462 = tpu.memref_squeeze %dma_wait3A_461 : memref<1x32768x256xf32, #tpu.memory_space<hbm>> -> memref<32768x256xf32, #tpu.memory_space<hbm>>
        %dma_wait3A_463 = arith.constant 0 : i32
        %dma_wait3A_464 = tpu.memref_slice %dma_wait3A_462[%add3A_452, %dma_wait3A_463] : memref<32768x256xf32, #tpu.memory_space<hbm>> -> memref<32x256xf32, #tpu.memory_space<hbm>>
        tpu.wait_dma2 semaphore(%arg30 : memref<!tpu.dma_semaphore, #tpu.memory_space<semaphore_mem>>) src(%arg14 : memref<32x256xf32, #tpu.memory_space<vmem>>) dst(%dma_wait3A_464 : memref<32x256xf32, #tpu.memory_space<hbm>>)
      } else {
      }
      %add3A_416 = arith.constant 3 : i32
      %add3A_417 = arith.addi %add3A_410, %add3A_416 : i32
      %lt3A_418 = arith.constant 128 : i32
      %lt3A_419 = arith.cmpi slt, %add3A_417, %lt3A_418 : i32
      %convert_element_type3A_420 = arith.extui %lt3A_419 : i1 to i32
      %cond3A_421 = arith.constant 0 : i32
      %cond3A_422 = arith.cmpi ne, %convert_element_type3A_420, %cond3A_421 : i32
      scf.if %cond3A_422 {
        %add3A_448 = arith.constant 3 : i32
        %add3A_449 = arith.addi %add3A_410, %add3A_448 : i32
        %mul3A_450 = arith.constant 32 : i32
        %mul3A_451 = arith.muli %add3A_449, %mul3A_450 : i32
        %dma_start3A_452 = tpu.memref_slice %arg9[%mul3A_451] : memref<4096xi32, #tpu.memory_space<vmem>> -> memref<32xi32, #tpu.memory_space<vmem>>
        %dma_start3A_453 = arith.constant 0 : i32
        %dma_start3A_454 = arith.constant 0 : i32
        %dma_start3A_455 = tpu.memref_slice %arg2[%select_n3A, %dma_start3A_453, %dma_start3A_454] : memref<4x32768x256xf32, #tpu.memory_space<hbm>> -> memref<1x32768x256xf32, #tpu.memory_space<hbm>>
        %dma_start3A_456 = tpu.memref_squeeze %dma_start3A_455 : memref<1x32768x256xf32, #tpu.memory_space<hbm>> -> memref<32768x256xf32, #tpu.memory_space<hbm>>
        %dma_start3A_457 = arith.constant 0 : i32
        %dma_start3A_458 = arith.constant 0 : i32
        %dma_start3A_459 = tpu.memref_slice %dma_start3A_456[%dma_start3A_457, %dma_start3A_458] : memref<32768x256xf32, #tpu.memory_space<hbm>> -> memref<32768x256xf32, #tpu.memory_space<hbm>>
        tpu.enqueue_indirect_dma source(%dma_start3A_459 : memref<32768x256xf32, #tpu.memory_space<hbm>>) target(%arg14 : memref<32x256xf32, #tpu.memory_space<vmem>>) offsets(%dma_start3A_452 : memref<32xi32, #tpu.memory_space<vmem>>) semaphore(%arg22 : memref<!tpu.dma_semaphore, #tpu.memory_space<semaphore_mem>>)
      } else {
      }
      %mul3A_423 = arith.constant 32 : i32
      %mul3A_424 = arith.muli %add3A_410, %mul3A_423 : i32
      %dma_wait3A_425 = tpu.memref_slice %arg9[%mul3A_424] : memref<4096xi32, #tpu.memory_space<vmem>> -> memref<32xi32, #tpu.memory_space<vmem>>
      %dma_wait3A_426 = arith.constant 0 : i32
      %dma_wait3A_427 = arith.constant 0 : i32
      %dma_wait3A_428 = tpu.memref_slice %arg2[%select_n3A, %dma_wait3A_426, %dma_wait3A_427] : memref<4x32768x256xf32, #tpu.memory_space<hbm>> -> memref<1x32768x256xf32, #tpu.memory_space<hbm>>
      %dma_wait3A_429 = tpu.memref_squeeze %dma_wait3A_428 : memref<1x32768x256xf32, #tpu.memory_space<hbm>> -> memref<32768x256xf32, #tpu.memory_space<hbm>>
      %dma_wait3A_430 = arith.constant 0 : i32
      %dma_wait3A_431 = arith.constant 0 : i32
      %dma_wait3A_432 = tpu.memref_slice %dma_wait3A_429[%dma_wait3A_430, %dma_wait3A_431] : memref<32768x256xf32, #tpu.memory_space<hbm>> -> memref<32768x256xf32, #tpu.memory_space<hbm>>
      tpu.wait_indirect_dma semaphore(%arg27 : memref<!tpu.dma_semaphore, #tpu.memory_space<semaphore_mem>>) src(%dma_wait3A_432 : memref<32768x256xf32, #tpu.memory_space<hbm>>) dst(%arg19 : memref<32x256xf32, #tpu.memory_space<vmem>>)
      %mul3A_433 = arith.constant 32 : i32
      %mul3A_434 = arith.muli %add3A_410, %mul3A_433 : i32
      %add3A_435 = arith.addi %mul3A_32, %mul3A_434 : i32
      %dma_start3A_436 = arith.constant 0 : i32
      %dma_start3A_437 = arith.constant 0 : i32
      %dma_start3A_438 = tpu.memref_slice %arg6[%select_n3A, %dma_start3A_436, %dma_start3A_437] : memref<4x32768x256xf32, #tpu.memory_space<hbm>> -> memref<1x32768x256xf32, #tpu.memory_space<hbm>>
      %dma_start3A_439 = tpu.memref_squeeze %dma_start3A_438 : memref<1x32768x256xf32, #tpu.memory_space<hbm>> -> memref<32768x256xf32, #tpu.memory_space<hbm>>
      %dma_start3A_440 = arith.constant 0 : i32
      %dma_start3A_441 = tpu.memref_slice %dma_start3A_439[%add3A_435, %dma_start3A_440] : memref<32768x256xf32, #tpu.memory_space<hbm>> -> memref<32x256xf32, #tpu.memory_space<hbm>>
      %dma_start3A_442 = arith.constant 0 : i32
      %dma_start3A_443 = arith.constant 0 : i32
      %dma_start3A_444 = tpu.memref_slice %arg6[%select_n3A, %dma_start3A_442, %dma_start3A_443] : memref<4x32768x256xf32, #tpu.memory_space<hbm>> -> memref<1x32768x256xf32, #tpu.memory_space<hbm>>
      %dma_start3A_445 = tpu.memref_squeeze %dma_start3A_444 : memref<1x32768x256xf32, #tpu.memory_space<hbm>> -> memref<32768x256xf32, #tpu.memory_space<hbm>>
      %dma_start3A_446 = arith.constant 0 : i32
      %dma_start3A_447 = tpu.memref_slice %dma_start3A_445[%add3A_435, %dma_start3A_446] : memref<32768x256xf32, #tpu.memory_space<hbm>> -> memref<32x256xf32, #tpu.memory_space<hbm>>
      tpu.enqueue_dma source(%arg19 : memref<32x256xf32, #tpu.memory_space<vmem>>) target(%dma_start3A_447 : memref<32x256xf32, #tpu.memory_space<hbm>>) target_semaphore(%arg35 : memref<!tpu.dma_semaphore, #tpu.memory_space<semaphore_mem>>)
    }
    %scan3A_64 = arith.constant 16 : i32
    %add3A_65 = arith.constant 3936 : i32
    %add3A_66 = arith.addi %mul3A_32, %add3A_65 : i32
    %dma_wait3A = arith.constant 0 : i32
    %dma_wait3A_67 = arith.constant 0 : i32
    %dma_wait3A_68 = tpu.memref_slice %arg6[%select_n3A, %dma_wait3A, %dma_wait3A_67] : memref<4x32768x256xf32, #tpu.memory_space<hbm>> -> memref<1x32768x256xf32, #tpu.memory_space<hbm>>
    %dma_wait3A_69 = tpu.memref_squeeze %dma_wait3A_68 : memref<1x32768x256xf32, #tpu.memory_space<hbm>> -> memref<32768x256xf32, #tpu.memory_space<hbm>>
    %dma_wait3A_70 = arith.constant 0 : i32
    %dma_wait3A_71 = tpu.memref_slice %dma_wait3A_69[%add3A_66, %dma_wait3A_70] : memref<32768x256xf32, #tpu.memory_space<hbm>> -> memref<32x256xf32, #tpu.memory_space<hbm>>
    %dma_wait3A_72 = arith.constant 0 : i32
    %dma_wait3A_73 = arith.constant 0 : i32
    %dma_wait3A_74 = tpu.memref_slice %arg6[%select_n3A, %dma_wait3A_72, %dma_wait3A_73] : memref<4x32768x256xf32, #tpu.memory_space<hbm>> -> memref<1x32768x256xf32, #tpu.memory_space<hbm>>
    %dma_wait3A_75 = tpu.memref_squeeze %dma_wait3A_74 : memref<1x32768x256xf32, #tpu.memory_space<hbm>> -> memref<32768x256xf32, #tpu.memory_space<hbm>>
    %dma_wait3A_76 = arith.constant 0 : i32
    %dma_wait3A_77 = tpu.memref_slice %dma_wait3A_75[%add3A_66, %dma_wait3A_76] : memref<32768x256xf32, #tpu.memory_space<hbm>> -> memref<32x256xf32, #tpu.memory_space<hbm>>
    tpu.wait_dma2 semaphore(%arg31 : memref<!tpu.dma_semaphore, #tpu.memory_space<semaphore_mem>>) src(%arg15 : memref<32x256xf32, #tpu.memory_space<vmem>>) dst(%dma_wait3A_77 : memref<32x256xf32, #tpu.memory_space<hbm>>)
    %add3A_78 = arith.constant 3968 : i32
    %add3A_79 = arith.addi %mul3A_32, %add3A_78 : i32
    %dma_wait3A_80 = arith.constant 0 : i32
    %dma_wait3A_81 = arith.constant 0 : i32
    %dma_wait3A_82 = tpu.memref_slice %arg6[%select_n3A, %dma_wait3A_80, %dma_wait3A_81] : memref<4x32768x256xf32, #tpu.memory_space<hbm>> -> memref<1x32768x256xf32, #tpu.memory_space<hbm>>
    %dma_wait3A_83 = tpu.memref_squeeze %dma_wait3A_82 : memref<1x32768x256xf32, #tpu.memory_space<hbm>> -> memref<32768x256xf32, #tpu.memory_space<hbm>>
    %dma_wait3A_84 = arith.constant 0 : i32
    %dma_wait3A_85 = tpu.memref_slice %dma_wait3A_83[%add3A_79, %dma_wait3A_84] : memref<32768x256xf32, #tpu.memory_space<hbm>> -> memref<32x256xf32, #tpu.memory_space<hbm>>
    %dma_wait3A_86 = arith.constant 0 : i32
    %dma_wait3A_87 = arith.constant 0 : i32
    %dma_wait3A_88 = tpu.memref_slice %arg6[%select_n3A, %dma_wait3A_86, %dma_wait3A_87] : memref<4x32768x256xf32, #tpu.memory_space<hbm>> -> memref<1x32768x256xf32, #tpu.memory_space<hbm>>
    %dma_wait3A_89 = tpu.memref_squeeze %dma_wait3A_88 : memref<1x32768x256xf32, #tpu.memory_space<hbm>> -> memref<32768x256xf32, #tpu.memory_space<hbm>>
    %dma_wait3A_90 = arith.constant 0 : i32
    %dma_wait3A_91 = tpu.memref_slice %dma_wait3A_89[%add3A_79, %dma_wait3A_90] : memref<32768x256xf32, #tpu.memory_space<hbm>> -> memref<32x256xf32, #tpu.memory_space<hbm>>
    tpu.wait_dma2 semaphore(%arg32 : memref<!tpu.dma_semaphore, #tpu.memory_space<semaphore_mem>>) src(%arg16 : memref<32x256xf32, #tpu.memory_space<vmem>>) dst(%dma_wait3A_91 : memref<32x256xf32, #tpu.memory_space<hbm>>)
    %add3A_92 = arith.constant 4000 : i32
    %add3A_93 = arith.addi %mul3A_32, %add3A_92 : i32
    %dma_wait3A_94 = arith.constant 0 : i32
    %dma_wait3A_95 = arith.constant 0 : i32
    %dma_wait3A_96 = tpu.memref_slice %arg6[%select_n3A, %dma_wait3A_94, %dma_wait3A_95] : memref<4x32768x256xf32, #tpu.memory_space<hbm>> -> memref<1x32768x256xf32, #tpu.memory_space<hbm>>
    %dma_wait3A_97 = tpu.memref_squeeze %dma_wait3A_96 : memref<1x32768x256xf32, #tpu.memory_space<hbm>> -> memref<32768x256xf32, #tpu.memory_space<hbm>>
    %dma_wait3A_98 = arith.constant 0 : i32
    %dma_wait3A_99 = tpu.memref_slice %dma_wait3A_97[%add3A_93, %dma_wait3A_98] : memref<32768x256xf32, #tpu.memory_space<hbm>> -> memref<32x256xf32, #tpu.memory_space<hbm>>
    %dma_wait3A_100 = arith.constant 0 : i32
    %dma_wait3A_101 = arith.constant 0 : i32
    %dma_wait3A_102 = tpu.memref_slice %arg6[%select_n3A, %dma_wait3A_100, %dma_wait3A_101] : memref<4x32768x256xf32, #tpu.memory_space<hbm>> -> memref<1x32768x256xf32, #tpu.memory_space<hbm>>
    %dma_wait3A_103 = tpu.memref_squeeze %dma_wait3A_102 : memref<1x32768x256xf32, #tpu.memory_space<hbm>> -> memref<32768x256xf32, #tpu.memory_space<hbm>>
    %dma_wait3A_104 = arith.constant 0 : i32
    %dma_wait3A_105 = tpu.memref_slice %dma_wait3A_103[%add3A_93, %dma_wait3A_104] : memref<32768x256xf32, #tpu.memory_space<hbm>> -> memref<32x256xf32, #tpu.memory_space<hbm>>
    tpu.wait_dma2 semaphore(%arg33 : memref<!tpu.dma_semaphore, #tpu.memory_space<semaphore_mem>>) src(%arg17 : memref<32x256xf32, #tpu.memory_space<vmem>>) dst(%dma_wait3A_105 : memref<32x256xf32, #tpu.memory_space<hbm>>)
    %add3A_106 = arith.constant 4032 : i32
    %add3A_107 = arith.addi %mul3A_32, %add3A_106 : i32
    %dma_wait3A_108 = arith.constant 0 : i32
    %dma_wait3A_109 = arith.constant 0 : i32
    %dma_wait3A_110 = tpu.memref_slice %arg6[%select_n3A, %dma_wait3A_108, %dma_wait3A_109] : memref<4x32768x256xf32, #tpu.memory_space<hbm>> -> memref<1x32768x256xf32, #tpu.memory_space<hbm>>
    %dma_wait3A_111 = tpu.memref_squeeze %dma_wait3A_110 : memref<1x32768x256xf32, #tpu.memory_space<hbm>> -> memref<32768x256xf32, #tpu.memory_space<hbm>>
    %dma_wait3A_112 = arith.constant 0 : i32
    %dma_wait3A_113 = tpu.memref_slice %dma_wait3A_111[%add3A_107, %dma_wait3A_112] : memref<32768x256xf32, #tpu.memory_space<hbm>> -> memref<32x256xf32, #tpu.memory_space<hbm>>
    %dma_wait3A_114 = arith.constant 0 : i32
    %dma_wait3A_115 = arith.constant 0 : i32
    %dma_wait3A_116 = tpu.memref_slice %arg6[%select_n3A, %dma_wait3A_114, %dma_wait3A_115] : memref<4x32768x256xf32, #tpu.memory_space<hbm>> -> memref<1x32768x256xf32, #tpu.memory_space<hbm>>
    %dma_wait3A_117 = tpu.memref_squeeze %dma_wait3A_116 : memref<1x32768x256xf32, #tpu.memory_space<hbm>> -> memref<32768x256xf32, #tpu.memory_space<hbm>>
    %dma_wait3A_118 = arith.constant 0 : i32
    %dma_wait3A_119 = tpu.memref_slice %dma_wait3A_117[%add3A_107, %dma_wait3A_118] : memref<32768x256xf32, #tpu.memory_space<hbm>> -> memref<32x256xf32, #tpu.memory_space<hbm>>
    tpu.wait_dma2 semaphore(%arg34 : memref<!tpu.dma_semaphore, #tpu.memory_space<semaphore_mem>>) src(%arg18 : memref<32x256xf32, #tpu.memory_space<vmem>>) dst(%dma_wait3A_119 : memref<32x256xf32, #tpu.memory_space<hbm>>)
    %add3A_120 = arith.constant 4064 : i32
    %add3A_121 = arith.addi %mul3A_32, %add3A_120 : i32
    %dma_wait3A_122 = arith.constant 0 : i32
    %dma_wait3A_123 = arith.constant 0 : i32
    %dma_wait3A_124 = tpu.memref_slice %arg6[%select_n3A, %dma_wait3A_122, %dma_wait3A_123] : memref<4x32768x256xf32, #tpu.memory_space<hbm>> -> memref<1x32768x256xf32, #tpu.memory_space<hbm>>
    %dma_wait3A_125 = tpu.memref_squeeze %dma_wait3A_124 : memref<1x32768x256xf32, #tpu.memory_space<hbm>> -> memref<32768x256xf32, #tpu.memory_space<hbm>>
    %dma_wait3A_126 = arith.constant 0 : i32
    %dma_wait3A_127 = tpu.memref_slice %dma_wait3A_125[%add3A_121, %dma_wait3A_126] : memref<32768x256xf32, #tpu.memory_space<hbm>> -> memref<32x256xf32, #tpu.memory_space<hbm>>
    %dma_wait3A_128 = arith.constant 0 : i32
    %dma_wait3A_129 = arith.constant 0 : i32
    %dma_wait3A_130 = tpu.memref_slice %arg6[%select_n3A, %dma_wait3A_128, %dma_wait3A_129] : memref<4x32768x256xf32, #tpu.memory_space<hbm>> -> memref<1x32768x256xf32, #tpu.memory_space<hbm>>
    %dma_wait3A_131 = tpu.memref_squeeze %dma_wait3A_130 : memref<1x32768x256xf32, #tpu.memory_space<hbm>> -> memref<32768x256xf32, #tpu.memory_space<hbm>>
    %dma_wait3A_132 = arith.constant 0 : i32
    %dma_wait3A_133 = tpu.memref_slice %dma_wait3A_131[%add3A_121, %dma_wait3A_132] : memref<32768x256xf32, #tpu.memory_space<hbm>> -> memref<32x256xf32, #tpu.memory_space<hbm>>
    tpu.wait_dma2 semaphore(%arg35 : memref<!tpu.dma_semaphore, #tpu.memory_space<semaphore_mem>>) src(%arg19 : memref<32x256xf32, #tpu.memory_space<vmem>>) dst(%dma_wait3A_133 : memref<32x256xf32, #tpu.memory_space<hbm>>)
    return
  }
}

</mosaic_0001>

<sc_bundles>
// kernel: kernel.3.cloned.1.call-start
scs
__scs_entry_jumppad:
0x0: {  	(pc) =	sbr.rel $0x88, $3  }
0x1: {  	(tag) =	ssettag $0x0;
	lr =	simm.s32 $0x1  }
0x2: {  	[smem:$0x3F9D] =	sst lr;
	_ =	strace $0xD0000000  }
0x3: {  	_ = 	snop  }
0x4: {  	_ = 	snop  }
0x5: {  	_ = 	snop  }
0x6: {  	_ = 	snop  }
0x7: {  	_ = 	snop  }
__scs_overlays_trampoline_lowered:
0x8: {  	[smem:$0x3FAC] =	sst s0  }
0x9: {  	[smem:$0x3FAD] =	sst s1  }
0xa: {  	[smem:$0x3FAE] =	sst s2  }
0xb: {  	[smem:$0x3FAF] =	sst s3  }
0xc: {  	[smem:$0x3FB0] =	sst s4  }
0xd: {  	[smem:$0x3FB1] =	sst s5  }
0xe: {  	[smem:$0x3FB2] =	sst s6  }
0xf: {  	[smem:$0x3FB3] =	sst s7  }
0x10: {  	[smem:$0x3FB4] =	sst s8  }
0x11: {  	[smem:$0x3FB5] =	sst s9;
	s0 =	simm.s32 @!p0 $0x0  }
0x12: {  	s1 =	sld [smem:$0x3F9B];
	s0 =	simm.s32 @p0 $0x1  }
0x13: {  	[smem:$0x3FB6] =	sst s0;
	s0 =	simm.s32 @!p1 $0x0  }
0x14: {  	s2 =	sld [smem:$0x3F9A];
	s0 =	simm.s32 @p1 $0x1  }
0x15: {  	[smem:$0x3FB7] =	sst s0;
	s0 =	simm.s32 @!p2 $0x0  }
0x16: {  	s3 =	sld [smem:$0x3FDB];
	s0 =	simm.s32 @p2 $0x1  }
0x17: {  	s4 =	simm.s32 $0x1BF5;
	[smem:$0x3FB9] =	sst s0  }
0x18: {  	s0 =	sld [smem:$0x3F9C];
	_ =	swait.ge [sflag:s4], $0x0  }
0x19: {  	s7 =	sld [smem:$0x3F9D]  }
0x1a: {  	s8 =	sadd.s32 $0xFFFFE003, lr  }
0x1b: {  	s9 =	sadd.s32 $0xFFFFFEF7, lr;
	s5 =	simm.s32 $0xFFFFFFFF;
	p2 =	slt.u32 s8, $0xFFFFF086  }
0x1c: {  	p1 =	slt.u32 s9, $0xF7A;
	s5 =	simm.s32 @!p2 $0x0  }
0x1d: {  	s5 =	simm.s32 @p1 $0x1;
	p0 =	seq.s32 s7, s2  }
0x1e: {  	s7 =	smul.u32 @!p0 $0xF7A, s2;
	p2 =	seq.s32 @!p0 s5, $0x0  }
0x1f: {  	s9 =	smul.u32 $0xF7A, s1;
	s8 =	simm.s32 @!p0 $0x1BF5;
	p2 =	por !p2, p0  }
0x20: {  	[sflag:s8] =	ssyncset.s32 @!p0 $0xFFFFF086;
	s6 =	sadd.s32 @!p0 s3, s7;
	s7 =	simm.s32 @!p0 $0x108  }
0x21: {  	s3 =	sadd.s32 s3, s9;
	s6 =	sadd.s32 @!p0 $0x88, s6;
	s7 =	simm.s32 @p2 $0x1082  }
0x22: {  	[simem:s7], [sflag:s8] =	dma.local @!p0 [hbm:s6], $0xF7A  }
0x23: {  	s9 =	sor.u32 $0xD0000000, s2;
	s6 =	simm.s32 $0x108;
	_ =	swait.ge @!p0 [sflag:s8], $0x0  }
0x24: {  	s3 =	sadd.s32 $0x88, s3;
	s6 =	simm.s32 @!p1 $0x1082;
	[sflag:s4] =	ssyncset.s32 $0xFFFFF086  }
0x25: {  	[simem:s6], [sflag:s4] =	dma.local [hbm:s3], $0xF7A  }
0x26: {  	[smem:$0x3F9D] =	sst s1;
	(tag) =	ssettag s2;
	_ =	strace s9  }
0x27: {  	s1 =	sld [smem:$0x3FAD]  }
0x28: {  	s2 =	sld [smem:$0x3FAE]  }
0x29: {  	s4 =	sld [smem:$0x3FB0]  }
0x2a: {  	p0 =	seq.s32 s5, $0x0;
	s5 =	sld [smem:$0x3FB1]  }
0x2b: {  	s6 =	sld [smem:$0x3FB2]  }
0x2c: {  	s7 =	sld [smem:$0x3FB3]  }
0x2d: {  	s3 =	simm.s32 $0x108;
	s8 =	sld [smem:$0x3FB4]  }
0x2e: {  	s3 =	simm.s32 @!p0 $0x1082;
	s9 =	sld [smem:$0x3FB5]  }
0x2f: {  	lr =	sadd.s32 s0, s3;
	s0 =	sld [smem:$0x3FAC]  }
0x30: {  	s3 =	sld [smem:$0x3FAF]  }
0x31: {  	[smem:$0x3FB8] =	sst s10  }
0x32: {  	s10 =	sld [smem:$0x3FB6];
	_ =	sdelay $0x3  }
0x33: {  	p0 =	seq.s32 s10, $0x1;
	s10 =	sld [smem:$0x3FB8];
	_ =	sdelay $0x3  }
0x34: {  	[smem:$0x3FB8] =	sst s10  }
0x35: {  	s10 =	sld [smem:$0x3FB7];
	_ =	sdelay $0x3  }
0x36: {  	p1 =	seq.s32 s10, $0x1;
	s10 =	sld [smem:$0x3FB8];
	_ =	sdelay $0x3  }
0x37: {  	[smem:$0x3FB8] =	sst s10  }
0x38: {  	s10 =	sld [smem:$0x3FB9]  }
0x39: {  	_ = 	snop;
	(pc) =	sbr.ind lr, $3  }
0x3a: {  	_ = 	snop  }
0x3b: {  	_ = 	snop  }
0x3c: {  	p2 =	seq.s32 s10, $0x1;
	s10 =	sld [smem:$0x3FB8]  }
0x3d: {  	_ =	shalt  }
0x3e: {  	_ =	shalt  }
0x3f: {  	_ =	shalt  }
0x40: {  	_ =	shalt  }
0x41: {  	_ =	shalt  }
0x42: {  	_ =	shalt  }
0x43: {  	_ =	shalt  }
0x44: {  	_ =	shalt  }
0x45: {  	_ =	shalt  }
0x46: {  	_ =	shalt  }
0x47: {  	_ =	shalt  }
0x48: {  	_ =	shalt  }
0x49: {  	_ =	shalt  }
0x4a: {  	_ =	shalt  }
0x4b: {  	_ =	shalt  }
0x4c: {  	_ =	shalt  }
0x4d: {  	_ =	shalt  }
0x4e: {  	_ =	shalt  }
0x4f: {  	_ =	shalt  }
0x50: {  	_ =	shalt  }
0x51: {  	_ =	shalt  }
0x52: {  	_ =	shalt  }
0x53: {  	_ =	shalt  }
0x54: {  	_ =	shalt  }
0x55: {  	_ =	shalt  }
0x56: {  	_ =	shalt  }
0x57: {  	_ =	shalt  }
0x58: {  	_ =	shalt  }
0x59: {  	_ =	shalt  }
0x5a: {  	_ =	shalt  }
0x5b: {  	_ =	shalt  }
0x5c: {  	_ =	shalt  }
0x5d: {  	_ =	shalt  }
0x5e: {  	_ =	shalt  }
0x5f: {  	_ =	shalt  }
0x60: {  	_ =	shalt  }
0x61: {  	_ =	shalt  }
0x62: {  	_ =	shalt  }
0x63: {  	_ =	shalt  }
0x64: {  	_ =	shalt  }
0x65: {  	_ =	shalt  }
0x66: {  	_ =	shalt  }
0x67: {  	_ =	shalt  }
0x68: {  	_ =	shalt  }
0x69: {  	_ =	shalt  }
0x6a: {  	_ =	shalt  }
0x6b: {  	_ =	shalt  }
0x6c: {  	_ =	shalt  }
0x6d: {  	_ =	shalt  }
0x6e: {  	_ =	shalt  }
0x6f: {  	_ =	shalt  }
0x70: {  	_ =	shalt  }
0x71: {  	_ =	shalt  }
0x72: {  	_ =	shalt  }
0x73: {  	_ =	shalt  }
0x74: {  	_ =	shalt  }
0x75: {  	_ =	shalt  }
0x76: {  	_ =	shalt  }
0x77: {  	_ =	shalt  }
0x78: {  	_ =	shalt  }
0x79: {  	_ =	shalt  }
0x7a: {  	_ =	shalt  }
0x7b: {  	_ =	shalt  }
0x7c: {  	_ =	shalt  }
0x7d: {  	_ =	shalt  }
0x7e: {  	_ =	shalt  }
0x7f: {  	_ =	shalt  }
0x80: {  	_ =	shalt  }
0x81: {  	_ =	shalt  }
0x82: {  	_ =	shalt  }
0x83: {  	_ =	shalt  }
0x84: {  	_ =	shalt  }
0x85: {  	_ =	shalt  }
0x86: {  	_ =	shalt  }
0x87: {  	_ =	shalt  }
.Lfunc_end0:
.L_simem_size_0:
called_computation_lowered:
.L_overlay_start_0:
0x88: {  	s2 =	sld [smem:$0x3FD9]  }
0x89: {  	s3 =	sld [smem:$0x3FFE];
	_ =	sdelay $0x1  }
0x8a: {  	s1 =	srdreg.scid  }
0x8b: {  	s0 =	sand.u32 $0x1, s1  }
0x8c: {  	s15 =	sshll.u32 s0, $0xA;
	s2 =	sadd.s32 s3, s2  }
0x8d: {  	s2 =	sadd.s32 s2, s15  }
0x8e: {  	[smem:$0x3FC4] =	sst s2  }
0x8f: {  	_ = 	snop  }
0x90: {  	s2 =	sld [smem:$0x3FC9]  }
0x91: {  	s16 =	sld [smem:$0x3FD0]  }
0x92: {  	s4 =	sld [smem:$0x3FC8]  }
0x93: {  	s5 =	sld [smem:$0x3FC7]  }
0x94: {  	s7 =	simm.s32 $0xA;
	s8 =	simm.s32 $0x10;
	s6 =	sld [smem:$0x3FC6]  }
0x95: {  	[smem:s8], [sflag:s7] =	dma.local [hbm:s16], $0x1  }
0x96: {  	_ =	swait.eq [sflag:s7], $0x1  }
0x97: {  	s17 =	sld [smem:$0x10];
	[sflag:s7] =	ssyncset.done $0x0  }
0x98: {  	s18 =	sld [smem:$0x11];
	[sflag:s7] =	ssyncadd.s32 $0xFFFFFFFF  }
0x99: {  	s19 =	sld [smem:$0x12];
	(tm) =	ssettm $0x1  }
0x9a: {  	s9 =	sld [smem:$0x3FFB];
	_ =	sdelay $0x3  }
0x9b: {  	_ =	strace s9  }
0x9c: {  	s9 =	sld [smem:$0x3FFC];
	_ =	sdelay $0x3  }
0x9d: {  	_ =	strace s9  }
0x9e: {  	s9 =	sld [smem:$0x3FFD];
	_ =	sdelay $0x3  }
0x9f: {  	_ =	strace s9  }
0xa0: {  	_ =	strace $0x8FFFFFFF  }
0xa1: {  	s20 =	sld [smem:$0x3FDB];
	_ =	sdelay $0x1  }
0xa2: {  	s10 =	simm.s32 $_scs_section_size  }
0xa3: {  	s11 =	simm.s32 $_size__tile_overlayer_lowered;
	s12 =	simm.s32 $_tile_overlayer_lowered  }
0xa4: {  	s23 =	simm.s32 $0x1BFF;
	s22 =	sshll.u32 s12, $0x1;
	s9 =	sadd.s32 s10, s20  }
0xa5: {  	s13 =	simm.s32 $0x0;
	s21 =	sshll.u32 s11, $0x1;
	s11 =	sadd.s32 s22, s9  }
0xa6: {  	[timem:s13], [sflag:s23] =	dma.local [hbm:s11], s21  }
0xa7: {  	_ =	swait.ge [sflag:s23], s21  }
0xa8: {  	s10 =	ssub.s32 $0x0, s21;
	[sflag:s23] =	ssyncset.done $0x0  }
0xa9: {  	[sflag:s23] =	ssyncadd.s32 s10;
	_ =	sdelay $0x1  }
0xaa: {  	s24 =	simm.s32 $0x1B8B  }
0xab: {  	_ =	swait.ge [sflag:s24], $0x1  }
0xac: {  	[sflag:s24] =	ssyncset.done $0x0  }
0xad: {  	s25 =	simm.s32 $0x1B8E;
	[sflag:s24] =	ssyncadd.s32 $0xFFFFFFFF  }
0xae: {  	s26 =	simm.s32 $execute0_lowered;
	[smem:$0x3FD2] =	sst s25  }
0xaf: {  	s10 =	sshll.u32 s26, $0x1;
	_ =	strace $0x80000046;
	[dreg:$0x1] =	wrdreg $0xFFFFFFFF  }
0xb0: {  	s28 =	simm.s32 $_size_execute0_lowered;
	s9 =	sadd.s32 s9, s10;
	[dreg:$0x0] =	wrdreg $0x0  }
0xb1: {  	s10 =	sshll.u32 s28, $0x1;
	[dreg:$0x2] =	wrdreg s9  }
0xb2: {  	[dreg:$0x3] =	wrdreg s10  }
0xb3: {  	[dreg:$0x4] =	wrdreg $0xC0  }
0xb4: {  	_ =	task [dreg:s13], $0x5FFFF  }
0xb5: {  	[dreg:$0x1] =	wrdreg $0xFFFFFFFF  }
0xb6: {  	[dreg:$0x0] =	wrdreg $0x60  }
0xb7: {  	[dreg:$0x2] =	wrdreg s2  }
0xb8: {  	[dreg:$0x3] =	wrdreg s4  }
0xb9: {  	[dreg:$0x4] =	wrdreg s5  }
0xba: {  	[dreg:$0x5] =	wrdreg s6  }
0xbb: {  	[dreg:$0x6] =	wrdreg s17  }
0xbc: {  	[dreg:$0x7] =	wrdreg s18  }
0xbd: {  	[dreg:$0x8] =	wrdreg s19  }
0xbe: {  	[dreg:$0x9] =	wrdreg $0x9  }
0xbf: {  	_ =	task.clear_ibuf [dreg:s13], $0xAFFFF;
	_ =	strace $0x90000046  }
0xc0: {  	s29 =	simm.s32 $0x9;
	_ =	strace $0x80000048  }
0xc1: {  	_ =	swait.ge [sflag:s29], $0x1  }
0xc2: {  	[sflag:s29] =	ssyncadd.s32 $0xFFFFFFFF  }
0xc3: {  	_ =	strace $0x90000048  }
0xc4: {  	_ =	sfence  }
0xc5: {  	s30 =	sld [smem:$0x0];
	_ =	sdelay $0x2  }
0xc6: {  	s31 =	sshll.u32 s1, $0xD;
	s1 =	sshrl.u32 s1, $0x2  }
0xc7: {  	s3 =	sand.u32 $0x4000, s31;
	s1 =	sadd.s32 s1, s30  }
0xc8: {  	s0 =	sor.u32 s3, s0;
	s1 =	sshll.u32 s1, $0x11  }
0xc9: {  	s0 =	sor.u32 s1, s0  }
0xca: {  	s0 =	sadd.s32 $0x8F2B, s0  }
0xcb: {  	[sflag:s0] =	ssyncadd.remote.s32 $0x1  }
0xcc: {  	_ =	sfence.sel $0xFFFF  }
0xcd: {  	[dreg:$0x0] =	wrdreg $0xFFFFFFFF;
	(pc) =	sbr.abs _section_cstart, $3  }
0xce: {  	[dreg:$0x1] =	wrdreg $0xFFFFFFFF  }
0xcf: {  	_ =	task.clear_ibuf [dreg:s13], $0x2FFFF;
	_ =	strace $0x9FFFFFFF  }
0xd0: {  	(tm) =	ssettm $0x7FFFFFFF  }
0xd1: {  	_ =	shalt  }
tec
execute0_lowered:
.L_overlay_start_1:
0x0: {  	(tag) =	ssettag $0x1  }
0x1: {  	s0 =	rddreg [dreg:$0x0]  }
0x2: {  	s1 =	rddreg [dreg:$0x1]  }
0x3: {  	s3 =	rddreg [dreg:$0x2]  }
0x4: {  	s5 =	rddreg [dreg:$0x3]  }
0x5: {  	s6 =	rddreg [dreg:$0x4]  }
0x6: {  	s7 =	rddreg [dreg:$0x5]  }
0x7: {  	s8 =	rddreg [dreg:$0x6];
	s2 =	simm.s32 $0x0  }
0x8: {  	s12 =	stileid.u32;
	[smem:$0x7FF] =	sst s2  }
0x9: {  	s10 =	sshll.u32 s12, $0x1;
	s25 =	sshll.u32 s12, $0x12;
	s12 =	simm.s32 $0x8000  }
0xa: {  	s14 =	simm.s32 $0x9000;
	_ =	strace $0x80000047;
	[dreg:$0xa] =	wrdreg s12  }
0xb: {  	s15 =	simm.s32 $0xA000;
	[dreg:$0xc] =	wrdreg s14  }
0xc: {  	s4 =	srdreg.scid;
	s16 =	simm.s32 $0xA800;
	[dreg:$0xd] =	wrdreg s15  }
0xd: {  	s17 =	simm.s32 $0xB000;
	s18 =	simm.s32 $0xC000;
	[dreg:$0xe] =	wrdreg s16  }
0xe: {  	s19 =	simm.s32 $0xC800;
	s20 =	simm.s32 $0xD000;
	[dreg:$0xf] =	wrdreg s17  }
0xf: {  	s21 =	simm.s32 $0xE000;
	s22 =	simm.s32 $0xE800;
	[dreg:$0x10] =	wrdreg s18  }
0x10: {  	s23 =	simm.s32 $0xF000;
	s24 =	simm.s32 $0x10000;
	[dreg:$0x11] =	wrdreg s19  }
0x11: {  	s28 =	simm.s32 $0x9800;
	s29 =	simm.s32 $0x2;
	[dreg:$0x12] =	wrdreg s20  }
0x12: {  	s30 =	simm.s32 $0xB800;
	s4 =	sand.u32 $0x1, s4;
	[dreg:$0x13] =	wrdreg s21  }
0x13: {  	s31 =	simm.s32 $0x3;
	s9 =	ssub.s32 $0x2, s4;
	[dreg:$0x14] =	wrdreg s22  }
0x14: {  	s4 =	sor.u32 s4, s10;
	s15 =	simm.s32 $0x3800;
	[dreg:$0x15] =	wrdreg s23  }
0x15: {  	s19 =	simm.s32 $0x5800;
	[dreg:$0x16] =	wrdreg s24;
	s12 =	simm.s32 $0xF800  }
0x16: {  	s14 =	simm.s32 $0x9;
	s16 =	simm.s32 $0x6;
	s17 =	simm.s32 $0xA  }
0x17: {  	s18 =	simm.s32 $0x7;
	s20 =	simm.s32 $0xB;
	s13 =	sshll.u32 s4, $0x7  }
0x18: {  	s11 =	sshrl.u32 s9, $0x1;
	s10 =	sand.u32 $0x7, s4;
	s5 =	sadd.s32 s5, s13  }
0x19: {  	s9 =	ssub.s32 s9, s11;
	s8 =	sadd.s32 s8, s13;
	[dreg:$0x1c] =	wrdreg s5  }
0x1a: {  	s26 =	sshll.u32 s10, $0x9;
	s10 =	sshll.u32 s10, $0x11;
	[dreg:$0x1d] =	wrdreg s8  }
0x1b: {  	s11 =	sand.u32 $0x300000, s25;
	s25 =	simm.s32 $0x10800;
	[dreg:$0x9] =	wrdreg s10  }
0x1c: {  	s21 =	simm.s32 $0x8;
	s1 =	sadd.s32 s1, s26;
	[dreg:$0x17] =	wrdreg s25  }
0x1d: {  	s4 =	sadd.s32 s0, s11;
	s26 =	simm.s32 $0x11000;
	[dreg:$0x19] =	wrdreg s1  }
0x1e: {  	s10 =	simm.s32 $0x11;
	s1 =	sadd.s32 s3, s13;
	[dreg:$0x18] =	wrdreg s26  }
0x1f: {  	s25 =	simm.s32 $0x7800;
	s3 =	sadd.s32 s7, s13;
	[dreg:$0x1a] =	wrdreg s1  }
0x20: {  	s0 =	simm.s32 $0xD800;
	s7 =	sadd.s32 s6, s11;
	[dreg:$0x1b] =	wrdreg s3  }
0x21: {  	s8 =	simm.s32 $0x0;
	s11 =	smax.u32 s9, $0x1;
	[dreg:$0x8] =	wrdreg s7  }
0x22: {  	v2 =	vlaneseq.u32;
	s13 =	simm.s32 $0x8800;
	s26 =	simm.s32 $0x1;
	[dreg:$0x1e] =	wrdreg s11  }
0x23: {  	vm0 =	vmmov $0xffff;
	v1 =	vshrl.u32 v2, $0x3;
	s6 =	simm.s32 $0xF;
	s11 =	simm.s32 $0x1800;
	[dreg:$0xb] =	wrdreg s13  }
0x24: {  	v0 =	vand.u32 $0x7, v2;
	v2 =	vor.u32 $0x8, v2;
	v1 =	vmul.u32 $0x8, v1;
	s1 =	simm.s32 $0x4;
	s13 =	simm.s32 $0x5;
	s7 =	simm.s32 $0x10  }
.LBB2_1:
0x25: {  	s3 =	rddreg [dreg:$0x19]  }
0x26: {  	[tilespmem:s2], [sflag:$0x11] =	stream.linear.gather [hbm4b:s3+s2], $0x1000, $0x38;
	[tilespmem:$0x11800] =	vst v63  }
0x27: {  	_ =	swait.ge [sflag:s10], $0x1000  }
0x28: {  	[sflag:s10] =	ssyncset.done $0x0  }
0x29: {  	[sflag:s10] =	ssyncadd.s32 $0xFFFFF000  }
0x2a: {  	v3 =	vld [tilespmem:$0x0];
	_ =	sdelay $0x4  }
0x2b: {  	v4 =	vshll.u32 v3, $0x1  }
0x2c: {  	v3 =	vand.u32 $0x7, v3;
	v4 =	vand.u32 $0xFFFFFFF0, v4  }
0x2d: {  	v3 =	vor.u32 v3, v4  }
0x2e: {  	v4 =	vperm.xlane v3, v0;
	_ =	sdelay $0x1  }
0x2f: {  	v3 =	vperm.xlane v3, v2;
	v4 =	vadd.s32 v1, v4;
	_ =	sdelay $0x1  }
0x30: {  	v3 =	vadd.s32 v1, v3;
	_ =	sdelay $0x2  }
0x31: {  	[tilespmem:s11], [sflag:$0x1] =	stream.indirect_vreg.gather [hbm4b:s4+s2], $0x80, v4, vm0, $0xb8;
	[tilespmem:$0x11800] =	vst v63  }
0x32: {  	s5 =	simm.s32 $0x2000  }
0x33: {  	[tilespmem:s5], [sflag:$0x1] =	stream.indirect_vreg.gather [hbm4b:s4+s2], $0x80, v3, vm0, $0xb8;
	[tilespmem:$0x11800] =	vst v63  }
0x34: {  	v3 =	vld [tilespmem:$0x10];
	_ =	sdelay $0x4  }
0x35: {  	v59 =	vshll.u32 v3, $0x1  }
0x36: {  	v3 =	vand.u32 $0x7, v3;
	v4 =	vand.u32 $0xFFFFFFF0, v59  }
0x37: {  	v3 =	vor.u32 v3, v4  }
0x38: {  	v4 =	vperm.xlane v3, v0;
	_ =	sdelay $0x1  }
0x39: {  	v3 =	vperm.xlane v3, v2;
	v4 =	vadd.s32 v1, v4;
	_ =	sdelay $0x1  }
0x3a: {  	v3 =	vadd.s32 v1, v3;
	_ =	sdelay $0x1  }
0x3b: {  	s9 =	simm.s32 $0x2800  }
0x3c: {  	[tilespmem:s9], [sflag:$0x1] =	stream.indirect_vreg.gather [hbm4b:s4+s2], $0x80, v4, vm0, $0xb8;
	[tilespmem:$0x11800] =	vst v63  }
0x3d: {  	s22 =	simm.s32 $0x3000  }
0x3e: {  	[tilespmem:s22], [sflag:$0x1] =	stream.indirect_vreg.gather [hbm4b:s4+s2], $0x80, v3, vm0, $0xb8;
	[tilespmem:$0x11800] =	vst v63  }
0x3f: {  	v3 =	vld [tilespmem:$0x20];
	_ =	sdelay $0x4  }
0x40: {  	v60 =	vshll.u32 v3, $0x1  }
0x41: {  	v3 =	vand.u32 $0x7, v3;
	v4 =	vand.u32 $0xFFFFFFF0, v60  }
0x42: {  	v3 =	vor.u32 v3, v4  }
0x43: {  	v4 =	vperm.xlane v3, v0;
	_ =	sdelay $0x1  }
0x44: {  	v3 =	vperm.xlane v3, v2;
	v4 =	vadd.s32 v1, v4;
	_ =	sdelay $0x1  }
0x45: {  	v3 =	vadd.s32 v1, v3;
	_ =	sdelay $0x2  }
0x46: {  	[tilespmem:s15], [sflag:$0x2] =	stream.indirect_vreg.gather [hbm4b:s4+s2], $0x80, v4, vm0, $0xb8;
	[tilespmem:$0x11800] =	vst v63  }
0x47: {  	s23 =	simm.s32 $0x4000  }
0x48: {  	[tilespmem:s23], [sflag:$0x2] =	stream.indirect_vreg.gather [hbm4b:s4+s2], $0x80, v3, vm0, $0xb8;
	[tilespmem:$0x11800] =	vst v63  }
0x49: {  	v3 =	vld [tilespmem:$0x30];
	_ =	sdelay $0x4  }
0x4a: {  	v61 =	vshll.u32 v3, $0x1  }
0x4b: {  	v3 =	vand.u32 $0x7, v3;
	v4 =	vand.u32 $0xFFFFFFF0, v61  }
0x4c: {  	v3 =	vor.u32 v3, v4  }
0x4d: {  	v4 =	vperm.xlane v3, v0;
	_ =	sdelay $0x1  }
0x4e: {  	v3 =	vperm.xlane v3, v2;
	v4 =	vadd.s32 v1, v4;
	_ =	sdelay $0x1  }
0x4f: {  	v3 =	vadd.s32 v1, v3;
	_ =	sdelay $0x1  }
0x50: {  	s24 =	simm.s32 $0x4800  }
0x51: {  	[tilespmem:s24], [sflag:$0x2] =	stream.indirect_vreg.gather [hbm4b:s4+s2], $0x80, v4, vm0, $0xb8;
	[tilespmem:$0x11800] =	vst v63  }
0x52: {  	s5 =	simm.s32 $0x5000  }
0x53: {  	[tilespmem:s5], [sflag:$0x2] =	stream.indirect_vreg.gather [hbm4b:s4+s2], $0x80, v3, vm0, $0xb8;
	[tilespmem:$0x11800] =	vst v63  }
0x54: {  	v3 =	vld [tilespmem:$0x40];
	_ =	sdelay $0x4  }
0x55: {  	v62 =	vshll.u32 v3, $0x1  }
0x56: {  	v3 =	vand.u32 $0x7, v3;
	v4 =	vand.u32 $0xFFFFFFF0, v62  }
0x57: {  	v3 =	vor.u32 v3, v4  }
0x58: {  	v4 =	vperm.xlane v3, v0;
	_ =	sdelay $0x1  }
0x59: {  	v3 =	vperm.xlane v3, v2;
	v4 =	vadd.s32 v1, v4;
	_ =	sdelay $0x1  }
0x5a: {  	v3 =	vadd.s32 v1, v3;
	_ =	sdelay $0x2  }
0x5b: {  	[tilespmem:s19], [sflag:$0x3] =	stream.indirect_vreg.gather [hbm4b:s4+s2], $0x80, v4, vm0, $0xb8;
	[tilespmem:$0x11800] =	vst v63  }
0x5c: {  	s9 =	simm.s32 $0x6000  }
0x5d: {  	[tilespmem:s9], [sflag:$0x3] =	stream.indirect_vreg.gather [hbm4b:s4+s2], $0x80, v3, vm0, $0xb8;
	[tilespmem:$0x11800] =	vst v63  }
0x5e: {  	v3 =	vld [tilespmem:$0x50];
	_ =	sdelay $0x4  }
0x5f: {  	v63 =	vshll.u32 v3, $0x1  }
0x60: {  	v3 =	vand.u32 $0x7, v3;
	v4 =	vand.u32 $0xFFFFFFF0, v63  }
0x61: {  	v3 =	vor.u32 v3, v4  }
0x62: {  	v4 =	vperm.xlane v3, v0;
	_ =	sdelay $0x1  }
0x63: {  	v3 =	vperm.xlane v3, v2;
	v4 =	vadd.s32 v1, v4;
	_ =	sdelay $0x1  }
0x64: {  	v3 =	vadd.s32 v1, v3;
	_ =	sdelay $0x1  }
0x65: {  	s22 =	simm.s32 $0x6800  }
0x66: {  	[tilespmem:s22], [sflag:$0x3] =	stream.indirect_vreg.gather [hbm4b:s4+s2], $0x80, v4, vm0, $0xb8;
	[tilespmem:$0x11800] =	vst v63  }
0x67: {  	s23 =	simm.s32 $0x7000  }
0x68: {  	[tilespmem:s23], [sflag:$0x3] =	stream.indirect_vreg.gather [hbm4b:s4+s2], $0x80, v3, vm0, $0xb8;
	[tilespmem:$0x11800] =	vst v63  }
0x69: {  	s24 =	rddreg [dreg:$0x1a];
	s5 =	simm.s32 $0x1000  }
0x6a: {  	[tilespmem:s5], [sflag:$0x11] =	stream.linear.gather [hbm4b:s24+s2], $0x400, $0x38;
	[tilespmem:$0x11800] =	vst v63  }
0x6b: {  	_ =	swait.ge [sflag:s10], $0x400  }
0x6c: {  	[sflag:s10] =	ssyncset.done $0x0  }
0x6d: {  	s9 =	rddreg [dreg:$0x1b];
	[sflag:s10] =	ssyncadd.s32 $0xFFFFFC00  }
0x6e: {  	[hbm4b:s9+s2] =	stream.linear.scatter [tilespmem:s5], [sflag:$0x11], $0x400, $0x38;
	[tilespmem:$0x11800] =	vst v63  }
0x6f: {  	_ =	swait.ge [sflag:s10], $0x400  }
0x70: {  	[sflag:s10] =	ssyncset.done $0x0  }
0x71: {  	s23 =	simm.s32 $0x1400;
	s22 =	rddreg [dreg:$0x1c];
	[sflag:s10] =	ssyncadd.s32 $0xFFFFFC00  }
0x72: {  	[tilespmem:s23], [sflag:$0x11] =	stream.linear.gather [hbm4b:s22+s2], $0x400, $0x38;
	[tilespmem:$0x11800] =	vst v63  }
0x73: {  	_ =	swait.ge [sflag:s10], $0x400  }
0x74: {  	[sflag:s10] =	ssyncset.done $0x0  }
0x75: {  	s24 =	rddreg [dreg:$0x1d];
	[sflag:s10] =	ssyncadd.s32 $0xFFFFFC00  }
0x76: {  	[hbm4b:s24+s2] =	stream.linear.scatter [tilespmem:s23], [sflag:$0x11], $0x400, $0x38;
	[tilespmem:$0x11800] =	vst v63  }
0x77: {  	_ =	swait.ge [sflag:s10], $0x400  }
0x78: {  	s9 =	simm.s32 $0xB0;
	[sflag:s10] =	ssyncset.done $0x0  }
0x79: {  	s23 =	simm.s32 $0x3;
	s24 =	simm.s32 $0x0;
	[sflag:s10] =	ssyncadd.s32 $0xFFFFFC00  }
.LBB2_2:
0x7a: {  	p0 =	seq.s32 s24, $0x0  }
0x7b: {  	s3 =	simm.s32 @!p0 $0xC  }
0x7c: {  	_ =	swait.ge @!p0 [sflag:s3], $0x2000  }
0x7d: {  	[sflag:s3] =	ssyncset.done @!p0 $0x0  }
0x7e: {  	[sflag:s3] =	ssyncadd.s32 @!p0 $0xFFFFE000  }
0x7f: {  	v3 =	vld [tilespmem:s9+$0xFFFFFFB0];
	_ =	sdelay $0x4  }
0x80: {  	v4 =	vshll.u32 v3, $0x1  }
0x81: {  	v3 =	vand.u32 $0x7, v3;
	v4 =	vand.u32 $0xFFFFFFF0, v4  }
0x82: {  	v3 =	vor.u32 v3, v4  }
0x83: {  	v4 =	vperm.xlane v3, v0;
	_ =	sdelay $0x1  }
0x84: {  	v3 =	vperm.xlane v3, v2;
	v4 =	vadd.s32 v1, v4;
	_ =	sdelay $0x1  }
0x85: {  	v3 =	vadd.s32 v1, v3;
	_ =	sdelay $0x2  }
0x86: {  	[tilespmem:s25], [sflag:$0x4] =	stream.indirect_vreg.gather [hbm4b:s4+s2], $0x80, v4, vm0, $0xb8;
	[tilespmem:$0x11800] =	vst v63  }
0x87: {  	s22 =	rddreg [dreg:$0xa]  }
0x88: {  	[tilespmem:s22], [sflag:$0x4] =	stream.indirect_vreg.gather [hbm4b:s4+s2], $0x80, v3, vm0, $0xb8;
	[tilespmem:$0x11800] =	vst v63  }
0x89: {  	v3 =	vld [tilespmem:s9+$0xFFFFFFC0];
	_ =	sdelay $0x4  }
0x8a: {  	v55 =	vshll.u32 v3, $0x1  }
0x8b: {  	v3 =	vand.u32 $0x7, v3;
	v4 =	vand.u32 $0xFFFFFFF0, v55  }
0x8c: {  	v3 =	vor.u32 v3, v4  }
0x8d: {  	v4 =	vperm.xlane v3, v0;
	_ =	sdelay $0x1  }
0x8e: {  	v3 =	vperm.xlane v3, v2;
	v4 =	vadd.s32 v1, v4;
	_ =	sdelay $0x1  }
0x8f: {  	v3 =	vadd.s32 v1, v3;
	_ =	sdelay $0x1  }
0x90: {  	s5 =	rddreg [dreg:$0xb]  }
0x91: {  	[tilespmem:s5], [sflag:$0x4] =	stream.indirect_vreg.gather [hbm4b:s4+s2], $0x80, v4, vm0, $0xb8;
	[tilespmem:$0x11800] =	vst v63  }
0x92: {  	s22 =	rddreg [dreg:$0xc]  }
0x93: {  	[tilespmem:s22], [sflag:$0x4] =	stream.indirect_vreg.gather [hbm4b:s4+s2], $0x80, v3, vm0, $0xb8;
	[tilespmem:$0x11800] =	vst v63  }
0x94: {  	_ =	swait.ge [sflag:s26], $0x2000  }
0x95: {  	s22 =	rddreg [dreg:$0x8]  }
0x96: {  	s5 =	rddreg [dreg:$0x9]  }
0x97: {  	[sflag:s26] =	ssyncset.done $0x0;
	s3 =	sadd.s32 s22, s5  }
0x98: {  	[sflag:s26] =	ssyncadd.s32 $0xFFFFE000;
	s22 =	sadd.s32 s24, s3;
	s3 =	simm.s32 @!p0 $0xD  }
0x99: {  	[hbm4b:s22+s2] =	stream.linear.scatter [tilespmem:s11], [sflag:$0x9], $0x2000, $0x38;
	[tilespmem:$0x11800] =	vst v63  }
0x9a: {  	_ =	swait.ge @!p0 [sflag:s3], $0x2000  }
0x9b: {  	[sflag:s3] =	ssyncset.done @!p0 $0x0  }
0x9c: {  	[sflag:s3] =	ssyncadd.s32 @!p0 $0xFFFFE000  }
0x9d: {  	v3 =	vld [tilespmem:s9+$0xFFFFFFD0];
	_ =	sdelay $0x4  }
0x9e: {  	v56 =	vshll.u32 v3, $0x1  }
0x9f: {  	v3 =	vand.u32 $0x7, v3;
	v4 =	vand.u32 $0xFFFFFFF0, v56  }
0xa0: {  	v3 =	vor.u32 v3, v4  }
0xa1: {  	v4 =	vperm.xlane v3, v0;
	_ =	sdelay $0x1  }
0xa2: {  	v3 =	vperm.xlane v3, v2;
	v4 =	vadd.s32 v1, v4;
	_ =	sdelay $0x1  }
0xa3: {  	v3 =	vadd.s32 v1, v3;
	_ =	sdelay $0x2  }
0xa4: {  	[tilespmem:s28], [sflag:$0x5] =	stream.indirect_vreg.gather [hbm4b:s4+s2], $0x80, v4, vm0, $0xb8;
	[tilespmem:$0x11800] =	vst v63  }
0xa5: {  	s5 =	rddreg [dreg:$0xd]  }
0xa6: {  	[tilespmem:s5], [sflag:$0x5] =	stream.indirect_vreg.gather [hbm4b:s4+s2], $0x80, v3, vm0, $0xb8;
	[tilespmem:$0x11800] =	vst v63  }
0xa7: {  	v3 =	vld [tilespmem:s9+$0xFFFFFFE0];
	_ =	sdelay $0x4  }
0xa8: {  	v57 =	vshll.u32 v3, $0x1  }
0xa9: {  	v3 =	vand.u32 $0x7, v3;
	v4 =	vand.u32 $0xFFFFFFF0, v57  }
0xaa: {  	v3 =	vor.u32 v3, v4  }
0xab: {  	v4 =	vperm.xlane v3, v0;
	_ =	sdelay $0x1  }
0xac: {  	v3 =	vperm.xlane v3, v2;
	v4 =	vadd.s32 v1, v4;
	_ =	sdelay $0x1  }
0xad: {  	v3 =	vadd.s32 v1, v3;
	_ =	sdelay $0x1  }
0xae: {  	s3 =	rddreg [dreg:$0xe]  }
0xaf: {  	[tilespmem:s3], [sflag:$0x5] =	stream.indirect_vreg.gather [hbm4b:s4+s2], $0x80, v4, vm0, $0xb8;
	[tilespmem:$0x11800] =	vst v63  }
0xb0: {  	s5 =	rddreg [dreg:$0xf]  }
0xb1: {  	[tilespmem:s5], [sflag:$0x5] =	stream.indirect_vreg.gather [hbm4b:s4+s2], $0x80, v3, vm0, $0xb8;
	[tilespmem:$0x11800] =	vst v63  }
0xb2: {  	_ =	swait.ge [sflag:s29], $0x2000  }
0xb3: {  	[sflag:s29] =	ssyncset.done $0x0  }
0xb4: {  	s3 =	simm.s32 @!p0 $0xE;
	s5 =	sadd.s32 $0x400, s22;
	[sflag:s29] =	ssyncadd.s32 $0xFFFFE000  }
0xb5: {  	[hbm4b:s5+s2] =	stream.linear.scatter [tilespmem:s15], [sflag:$0xA], $0x2000, $0x38;
	[tilespmem:$0x11800] =	vst v63  }
0xb6: {  	_ =	swait.ge @!p0 [sflag:s3], $0x2000  }
0xb7: {  	[sflag:s3] =	ssyncset.done @!p0 $0x0  }
0xb8: {  	[sflag:s3] =	ssyncadd.s32 @!p0 $0xFFFFE000  }
0xb9: {  	v3 =	vld [tilespmem:s9+$0xFFFFFFF0];
	_ =	sdelay $0x4  }
0xba: {  	v58 =	vshll.u32 v3, $0x1  }
0xbb: {  	v3 =	vand.u32 $0x7, v3;
	v4 =	vand.u32 $0xFFFFFFF0, v58  }
0xbc: {  	v3 =	vor.u32 v3, v4  }
0xbd: {  	v4 =	vperm.xlane v3, v0;
	_ =	sdelay $0x1  }
0xbe: {  	v3 =	vperm.xlane v3, v2;
	v4 =	vadd.s32 v1, v4;
	_ =	sdelay $0x1  }
0xbf: {  	v3 =	vadd.s32 v1, v3;
	_ =	sdelay $0x2  }
0xc0: {  	[tilespmem:s30], [sflag:$0x6] =	stream.indirect_vreg.gather [hbm4b:s4+s2], $0x80, v4, vm0, $0xb8;
	[tilespmem:$0x11800] =	vst v63  }
0xc1: {  	s5 =	rddreg [dreg:$0x10]  }
0xc2: {  	[tilespmem:s5], [sflag:$0x6] =	stream.indirect_vreg.gather [hbm4b:s4+s2], $0x80, v3, vm0, $0xb8;
	[tilespmem:$0x11800] =	vst v63  }
0xc3: {  	v3 =	vld [tilespmem:s9+$0x0];
	_ =	sdelay $0x4  }
0xc4: {  	v59 =	vshll.u32 v3, $0x1  }
0xc5: {  	v3 =	vand.u32 $0x7, v3;
	v4 =	vand.u32 $0xFFFFFFF0, v59  }
0xc6: {  	v3 =	vor.u32 v3, v4  }
0xc7: {  	v4 =	vperm.xlane v3, v0;
	_ =	sdelay $0x1  }
0xc8: {  	v3 =	vperm.xlane v3, v2;
	v4 =	vadd.s32 v1, v4;
	_ =	sdelay $0x1  }
0xc9: {  	v3 =	vadd.s32 v1, v3;
	_ =	sdelay $0x1  }
0xca: {  	s3 =	rddreg [dreg:$0x11]  }
0xcb: {  	[tilespmem:s3], [sflag:$0x6] =	stream.indirect_vreg.gather [hbm4b:s4+s2], $0x80, v4, vm0, $0xb8;
	[tilespmem:$0x11800] =	vst v63  }
0xcc: {  	s5 =	rddreg [dreg:$0x12]  }
0xcd: {  	[tilespmem:s5], [sflag:$0x6] =	stream.indirect_vreg.gather [hbm4b:s4+s2], $0x80, v3, vm0, $0xb8;
	[tilespmem:$0x11800] =	vst v63  }
0xce: {  	_ =	swait.ge [sflag:s31], $0x2000  }
0xcf: {  	p1 =	slt.u32 s23, $0x5;
	[sflag:s31] =	ssyncset.done $0x0  }
0xd0: {  	s3 =	simm.s32 @!p1 $0xF;
	s5 =	sadd.s32 $0x800, s22;
	[sflag:s31] =	ssyncadd.s32 $0xFFFFE000  }
0xd1: {  	[hbm4b:s5+s2] =	stream.linear.scatter [tilespmem:s19], [sflag:$0xB], $0x2000, $0x38;
	[tilespmem:$0x11800] =	vst v63  }
0xd2: {  	_ =	swait.ge @!p1 [sflag:s3], $0x2000  }
0xd3: {  	[sflag:s3] =	ssyncset.done @!p1 $0x0  }
0xd4: {  	[sflag:s3] =	ssyncadd.s32 @!p1 $0xFFFFE000  }
0xd5: {  	v3 =	vld [tilespmem:s9+$0x10];
	_ =	sdelay $0x4  }
0xd6: {  	v60 =	vshll.u32 v3, $0x1  }
0xd7: {  	v3 =	vand.u32 $0x7, v3;
	v4 =	vand.u32 $0xFFFFFFF0, v60  }
0xd8: {  	v3 =	vor.u32 v3, v4  }
0xd9: {  	v4 =	vperm.xlane v3, v0;
	_ =	sdelay $0x1  }
0xda: {  	v3 =	vperm.xlane v3, v2;
	v4 =	vadd.s32 v1, v4;
	_ =	sdelay $0x1  }
0xdb: {  	v3 =	vadd.s32 v1, v3;
	_ =	sdelay $0x2  }
0xdc: {  	[tilespmem:s0], [sflag:$0x7] =	stream.indirect_vreg.gather [hbm4b:s4+s2], $0x80, v4, vm0, $0xb8;
	[tilespmem:$0x11800] =	vst v63  }
0xdd: {  	s5 =	rddreg [dreg:$0x13]  }
0xde: {  	[tilespmem:s5], [sflag:$0x7] =	stream.indirect_vreg.gather [hbm4b:s4+s2], $0x80, v3, vm0, $0xb8;
	[tilespmem:$0x11800] =	vst v63  }
0xdf: {  	v3 =	vld [tilespmem:s9+$0x20];
	_ =	sdelay $0x4  }
0xe0: {  	v61 =	vshll.u32 v3, $0x1  }
0xe1: {  	v3 =	vand.u32 $0x7, v3;
	v4 =	vand.u32 $0xFFFFFFF0, v61  }
0xe2: {  	v3 =	vor.u32 v3, v4  }
0xe3: {  	v4 =	vperm.xlane v3, v0;
	_ =	sdelay $0x1  }
0xe4: {  	v3 =	vperm.xlane v3, v2;
	v4 =	vadd.s32 v1, v4;
	_ =	sdelay $0x1  }
0xe5: {  	v3 =	vadd.s32 v1, v3;
	_ =	sdelay $0x1  }
0xe6: {  	s3 =	rddreg [dreg:$0x14]  }
0xe7: {  	[tilespmem:s3], [sflag:$0x7] =	stream.indirect_vreg.gather [hbm4b:s4+s2], $0x80, v4, vm0, $0xb8;
	[tilespmem:$0x11800] =	vst v63  }
0xe8: {  	s5 =	rddreg [dreg:$0x15]  }
0xe9: {  	[tilespmem:s5], [sflag:$0x7] =	stream.indirect_vreg.gather [hbm4b:s4+s2], $0x80, v3, vm0, $0xb8;
	[tilespmem:$0x11800] =	vst v63  }
0xea: {  	_ =	swait.ge [sflag:s1], $0x2000  }
0xeb: {  	[sflag:s1] =	ssyncset.done $0x0  }
0xec: {  	s3 =	simm.s32 @!p0 $0x10;
	s5 =	sadd.s32 $0xC00, s22;
	[sflag:s1] =	ssyncadd.s32 $0xFFFFE000  }
0xed: {  	[hbm4b:s5+s2] =	stream.linear.scatter [tilespmem:s25], [sflag:$0xC], $0x2000, $0x38;
	[tilespmem:$0x11800] =	vst v63  }
0xee: {  	_ =	swait.ge @!p0 [sflag:s3], $0x2000  }
0xef: {  	[sflag:s3] =	ssyncset.done @!p0 $0x0  }
0xf0: {  	[sflag:s3] =	ssyncadd.s32 @!p0 $0xFFFFE000  }
0xf1: {  	v3 =	vld [tilespmem:s9+$0x30];
	_ =	sdelay $0x4  }
0xf2: {  	v62 =	vshll.u32 v3, $0x1  }
0xf3: {  	v3 =	vand.u32 $0x7, v3;
	v4 =	vand.u32 $0xFFFFFFF0, v62  }
0xf4: {  	v3 =	vor.u32 v3, v4  }
0xf5: {  	v4 =	vperm.xlane v3, v0;
	_ =	sdelay $0x1  }
0xf6: {  	v3 =	vperm.xlane v3, v2;
	v4 =	vadd.s32 v1, v4;
	_ =	sdelay $0x1  }
0xf7: {  	v3 =	vadd.s32 v1, v3;
	_ =	sdelay $0x2  }
0xf8: {  	[tilespmem:s12], [sflag:$0x8] =	stream.indirect_vreg.gather [hbm4b:s4+s2], $0x80, v4, vm0, $0xb8;
	[tilespmem:$0x11800] =	vst v63  }
0xf9: {  	s5 =	rddreg [dreg:$0x16]  }
0xfa: {  	[tilespmem:s5], [sflag:$0x8] =	stream.indirect_vreg.gather [hbm4b:s4+s2], $0x80, v3, vm0, $0xb8;
	[tilespmem:$0x11800] =	vst v63  }
0xfb: {  	v3 =	vld [tilespmem:s9+$0x40];
	_ =	sdelay $0x4  }
0xfc: {  	v63 =	vshll.u32 v3, $0x1  }
0xfd: {  	v3 =	vand.u32 $0x7, v3;
	v4 =	vand.u32 $0xFFFFFFF0, v63  }
0xfe: {  	v3 =	vor.u32 v3, v4  }
0xff: {  	v4 =	vperm.xlane v3, v0;
	_ =	sdelay $0x1  }
0x100: {  	v3 =	vperm.xlane v3, v2;
	v4 =	vadd.s32 v1, v4;
	_ =	sdelay $0x1  }
0x101: {  	v3 =	vadd.s32 v1, v3;
	_ =	sdelay $0x1  }
0x102: {  	s3 =	rddreg [dreg:$0x17]  }
0x103: {  	[tilespmem:s3], [sflag:$0x8] =	stream.indirect_vreg.gather [hbm4b:s4+s2], $0x80, v4, vm0, $0xb8;
	[tilespmem:$0x11800] =	vst v63  }
0x104: {  	s5 =	rddreg [dreg:$0x18]  }
0x105: {  	[tilespmem:s5], [sflag:$0x8] =	stream.indirect_vreg.gather [hbm4b:s4+s2], $0x80, v3, vm0, $0xb8;
	[tilespmem:$0x11800] =	vst v63  }
0x106: {  	_ =	swait.ge [sflag:s13], $0x2000  }
0x107: {  	[sflag:s13] =	ssyncset.done $0x0  }
0x108: {  	s5 =	sadd.s32 $0x1000, s22;
	[sflag:s13] =	ssyncadd.s32 $0xFFFFE000  }
0x109: {  	[hbm4b:s5+s2] =	stream.linear.scatter [tilespmem:s28], [sflag:$0xD], $0x2000, $0x38;
	[tilespmem:$0x11800] =	vst v63  }
0x10a: {  	_ =	swait.ge [sflag:s14], $0x2000  }
0x10b: {  	[sflag:s14] =	ssyncset.done $0x0  }
0x10c: {  	p0 =	seq.s32 s24, $0x1E000;
	[sflag:s14] =	ssyncadd.s32 $0xFFFFE000  }
0x10d: {  	v3 =	vld @!p0 [tilespmem:s9+$0x50];
	_ =	sdelay $0x4  }
0x10e: {  	v4 =	vshll.u32 @!p0 v3, $0x1  }
0x10f: {  	v5 =	vlaneseq.u32 @!p0;
	v3 =	vand.u32 @!p0 $0x7, v3;
	v4 =	vand.u32 @!p0 $0xFFFFFFF0, v4  }
0x110: {  	v6 =	vshrl.u32 @!p0 v5, $0x3;
	v3 =	vor.u32 @!p0 v3, v4;
	v4 =	vand.u32 @!p0 $0x7, v5  }
0x111: {  	v6 =	vmul.u32 @!p0 $0x8, v6;
	v7 =	vperm.xlane @!p0 v3, v4  }
0x112: {  	v5 =	vor.u32 @!p0 $0x8, v5  }
0x113: {  	v3 =	vperm.xlane @!p0 v3, v5;
	v7 =	vadd.s32 @!p0 v6, v7;
	_ =	sdelay $0x1  }
0x114: {  	v3 =	vadd.s32 @!p0 v6, v3;
	_ =	sdelay $0x1  }
0x115: {  	vm1 =	vmmov @!p0 $0xffff;
	s3 =	simm.s32 @!p0 $0x0;
	s5 =	simm.s32 @!p0 $0x1800  }
0x116: {  	[tilespmem:s5], [sflag:$0x1] =	stream.indirect_vreg.gather @!p0 [hbm4b:s4+s3], $0x80, v7, vm1, $0xb8;
	[tilespmem:$0x11800] =	vst v63  }
0x117: {  	s5 =	simm.s32 @!p0 $0x2000  }
0x118: {  	[tilespmem:s5], [sflag:$0x1] =	stream.indirect_vreg.gather @!p0 [hbm4b:s4+s3], $0x80, v3, vm1, $0xb8;
	[tilespmem:$0x11800] =	vst v63  }
0x119: {  	v3 =	vld @!p0 [tilespmem:s9+$0x60];
	_ =	sdelay $0x4  }
0x11a: {  	v7 =	vshll.u32 @!p0 v3, $0x1  }
0x11b: {  	v3 =	vand.u32 @!p0 $0x7, v3;
	v7 =	vand.u32 @!p0 $0xFFFFFFF0, v7  }
0x11c: {  	v3 =	vor.u32 @!p0 v3, v7  }
0x11d: {  	v7 =	vperm.xlane @!p0 v3, v4;
	_ =	sdelay $0x1  }
0x11e: {  	v3 =	vperm.xlane @!p0 v3, v5;
	v7 =	vadd.s32 @!p0 v6, v7;
	_ =	sdelay $0x1  }
0x11f: {  	v3 =	vadd.s32 @!p0 v6, v3;
	_ =	sdelay $0x1  }
0x120: {  	s5 =	simm.s32 @!p0 $0x2800  }
0x121: {  	[tilespmem:s5], [sflag:$0x1] =	stream.indirect_vreg.gather @!p0 [hbm4b:s4+s3], $0x80, v7, vm1, $0xb8;
	[tilespmem:$0x11800] =	vst v63  }
0x122: {  	s5 =	simm.s32 @!p0 $0x3000  }
0x123: {  	[tilespmem:s5], [sflag:$0x1] =	stream.indirect_vreg.gather @!p0 [hbm4b:s4+s3], $0x80, v3, vm1, $0xb8;
	[tilespmem:$0x11800] =	vst v63  }
0x124: {  	_ =	swait.ge [sflag:s16], $0x2000  }
0x125: {  	[sflag:s16] =	ssyncset.done $0x0  }
0x126: {  	s5 =	sadd.s32 $0x1400, s22;
	[sflag:s16] =	ssyncadd.s32 $0xFFFFE000  }
0x127: {  	[hbm4b:s5+s2] =	stream.linear.scatter [tilespmem:s30], [sflag:$0xE], $0x2000, $0x38;
	[tilespmem:$0x11800] =	vst v63  }
0x128: {  	_ =	swait.ge [sflag:s17], $0x2000  }
0x129: {  	[sflag:s17] =	ssyncset.done $0x0  }
0x12a: {  	[sflag:s17] =	ssyncadd.s32 $0xFFFFE000  }
0x12b: {  	v3 =	vld @!p0 [tilespmem:s9+$0x70];
	_ =	sdelay $0x4  }
0x12c: {  	v7 =	vshll.u32 @!p0 v3, $0x1  }
0x12d: {  	v3 =	vand.u32 @!p0 $0x7, v3;
	v7 =	vand.u32 @!p0 $0xFFFFFFF0, v7  }
0x12e: {  	v3 =	vor.u32 @!p0 v3, v7  }
0x12f: {  	v7 =	vperm.xlane @!p0 v3, v4;
	_ =	sdelay $0x1  }
0x130: {  	v3 =	vperm.xlane @!p0 v3, v5;
	v7 =	vadd.s32 @!p0 v6, v7;
	_ =	sdelay $0x1  }
0x131: {  	v3 =	vadd.s32 @!p0 v6, v3;
	_ =	sdelay $0x1  }
0x132: {  	s5 =	simm.s32 @!p0 $0x3800  }
0x133: {  	[tilespmem:s5], [sflag:$0x2] =	stream.indirect_vreg.gather @!p0 [hbm4b:s4+s3], $0x80, v7, vm1, $0xb8;
	[tilespmem:$0x11800] =	vst v63  }
0x134: {  	s5 =	simm.s32 @!p0 $0x4000  }
0x135: {  	[tilespmem:s5], [sflag:$0x2] =	stream.indirect_vreg.gather @!p0 [hbm4b:s4+s3], $0x80, v3, vm1, $0xb8;
	[tilespmem:$0x11800] =	vst v63  }
0x136: {  	v3 =	vld @!p0 [tilespmem:s9+$0x80];
	_ =	sdelay $0x4  }
0x137: {  	v7 =	vshll.u32 @!p0 v3, $0x1  }
0x138: {  	v3 =	vand.u32 @!p0 $0x7, v3;
	v7 =	vand.u32 @!p0 $0xFFFFFFF0, v7  }
0x139: {  	v3 =	vor.u32 @!p0 v3, v7  }
0x13a: {  	v7 =	vperm.xlane @!p0 v3, v4;
	_ =	sdelay $0x1  }
0x13b: {  	v3 =	vperm.xlane @!p0 v3, v5;
	v7 =	vadd.s32 @!p0 v6, v7;
	_ =	sdelay $0x1  }
0x13c: {  	v3 =	vadd.s32 @!p0 v6, v3;
	_ =	sdelay $0x1  }
0x13d: {  	s5 =	simm.s32 @!p0 $0x4800  }
0x13e: {  	[tilespmem:s5], [sflag:$0x2] =	stream.indirect_vreg.gather @!p0 [hbm4b:s4+s3], $0x80, v7, vm1, $0xb8;
	[tilespmem:$0x11800] =	vst v63  }
0x13f: {  	s5 =	simm.s32 @!p0 $0x5000  }
0x140: {  	[tilespmem:s5], [sflag:$0x2] =	stream.indirect_vreg.gather @!p0 [hbm4b:s4+s3], $0x80, v3, vm1, $0xb8;
	[tilespmem:$0x11800] =	vst v63  }
0x141: {  	_ =	swait.ge [sflag:s18], $0x2000  }
0x142: {  	[sflag:s18] =	ssyncset.done $0x0  }
0x143: {  	s5 =	sadd.s32 $0x1800, s22;
	[sflag:s18] =	ssyncadd.s32 $0xFFFFE000  }
0x144: {  	[hbm4b:s5+s2] =	stream.linear.scatter [tilespmem:s0], [sflag:$0xF], $0x2000, $0x38;
	[tilespmem:$0x11800] =	vst v63  }
0x145: {  	_ =	swait.ge [sflag:s20], $0x2000  }
0x146: {  	[sflag:s20] =	ssyncset.done $0x0  }
0x147: {  	[sflag:s20] =	ssyncadd.s32 $0xFFFFE000  }
0x148: {  	v3 =	vld @!p0 [tilespmem:s9+$0x90];
	_ =	sdelay $0x4  }
0x149: {  	v7 =	vshll.u32 @!p0 v3, $0x1  }
0x14a: {  	v3 =	vand.u32 @!p0 $0x7, v3;
	v7 =	vand.u32 @!p0 $0xFFFFFFF0, v7  }
0x14b: {  	v3 =	vor.u32 @!p0 v3, v7  }
0x14c: {  	v7 =	vperm.xlane @!p0 v3, v4;
	_ =	sdelay $0x1  }
0x14d: {  	v3 =	vperm.xlane @!p0 v3, v5;
	v7 =	vadd.s32 @!p0 v6, v7;
	_ =	sdelay $0x1  }
0x14e: {  	v3 =	vadd.s32 @!p0 v6, v3;
	_ =	sdelay $0x1  }
0x14f: {  	s5 =	simm.s32 @!p0 $0x5800  }
0x150: {  	[tilespmem:s5], [sflag:$0x3] =	stream.indirect_vreg.gather @!p0 [hbm4b:s4+s3], $0x80, v7, vm1, $0xb8;
	[tilespmem:$0x11800] =	vst v63  }
0x151: {  	s5 =	simm.s32 @!p0 $0x6000  }
0x152: {  	[tilespmem:s5], [sflag:$0x3] =	stream.indirect_vreg.gather @!p0 [hbm4b:s4+s3], $0x80, v3, vm1, $0xb8;
	[tilespmem:$0x11800] =	vst v63  }
0x153: {  	v3 =	vld @!p0 [tilespmem:s9+$0xA0];
	_ =	sdelay $0x4  }
0x154: {  	v7 =	vshll.u32 @!p0 v3, $0x1  }
0x155: {  	v3 =	vand.u32 @!p0 $0x7, v3;
	v7 =	vand.u32 @!p0 $0xFFFFFFF0, v7  }
0x156: {  	v3 =	vor.u32 @!p0 v3, v7  }
0x157: {  	v4 =	vperm.xlane @!p0 v3, v4;
	_ =	sdelay $0x1  }
0x158: {  	v3 =	vperm.xlane @!p0 v3, v5;
	v4 =	vadd.s32 @!p0 v6, v4;
	_ =	sdelay $0x1  }
0x159: {  	v3 =	vadd.s32 @!p0 v6, v3;
	_ =	sdelay $0x1  }
0x15a: {  	s5 =	simm.s32 @!p0 $0x6800  }
0x15b: {  	[tilespmem:s5], [sflag:$0x3] =	stream.indirect_vreg.gather @!p0 [hbm4b:s4+s3], $0x80, v4, vm1, $0xb8;
	[tilespmem:$0x11800] =	vst v63  }
0x15c: {  	s24 =	sadd.s32 $0x2000, s24;
	s5 =	simm.s32 @!p0 $0x7000  }
0x15d: {  	[tilespmem:s5], [sflag:$0x3] =	stream.indirect_vreg.gather @!p0 [hbm4b:s4+s3], $0x80, v3, vm1, $0xb8;
	[tilespmem:$0x11800] =	vst v63  }
0x15e: {  	p0 =	sne.s32 s24, $0x20000  }
.Ltmp0:
0x15f: {  	_ = 	snop;
	(pc) =	sbr.rel @p0 .LBB2_2-.Ltmp0, $4  }
0x160: {  	_ =	swait.ge [sflag:s21], $0x2000  }
0x161: {  	s23 =	sadd.s32 $0x8, s23;
	[sflag:s21] =	ssyncset.done $0x0  }
0x162: {  	s22 =	sadd.s32 $0x1C00, s22;
	s9 =	sadd.s32 $0x100, s9;
	[sflag:s21] =	ssyncadd.s32 $0xFFFFE000  }
0x163: {  	[hbm4b:s22+s2] =	stream.linear.scatter [tilespmem:s12], [sflag:$0x10], $0x2000, $0x38;
	[tilespmem:$0x11800] =	vst v63  }
0x164: {  	s3 =	simm.s32 $0xC  }
0x165: {  	_ =	swait.ge [sflag:s3], $0x2000  }
0x166: {  	[sflag:s3] =	ssyncset.done $0x0  }
0x167: {  	s22 =	simm.s32 $0xD;
	[sflag:s3] =	ssyncadd.s32 $0xFFFFE000  }
0x168: {  	_ =	swait.ge [sflag:s22], $0x2000  }
0x169: {  	[sflag:s22] =	ssyncset.done $0x0  }
0x16a: {  	s23 =	simm.s32 $0xE;
	[sflag:s22] =	ssyncadd.s32 $0xFFFFE000  }
0x16b: {  	_ =	swait.ge [sflag:s23], $0x2000  }
0x16c: {  	[sflag:s23] =	ssyncset.done $0x0  }
0x16d: {  	[sflag:s23] =	ssyncadd.s32 $0xFFFFE000  }
0x16e: {  	_ =	swait.ge [sflag:s6], $0x2000  }
0x16f: {  	[sflag:s6] =	ssyncset.done $0x0  }
0x170: {  	[sflag:s6] =	ssyncadd.s32 $0xFFFFE000  }
0x171: {  	_ =	swait.ge [sflag:s7], $0x2000  }
0x172: {  	s8 =	sadd.s32 $0x1, s8;
	s24 =	rddreg [dreg:$0x1e]  }
0x173: {  	p0 =	sne.s32 s8, s24  }
.Ltmp1:
0x174: {  	_ = 	snop;
	(pc) =	sbr.rel @p0 .LBB2_1-.Ltmp1, $3  }
0x175: {  	_ =	sdelay $0x1  }
0x176: {  	[sflag:s7] =	ssyncset.done $0x0  }
0x177: {  	[sflag:s7] =	ssyncadd.s32 $0xFFFFE000  }
0x178: {  	_ =	sfence.sel $0x180000  }
0x179: {  	[bflag:$0x0] =	sbarrier.arrive $0xFFFF  }
0x17a: {  	_ =	strace $0x90000047  }
0x17b: {  	s0 =	stileid.u32;
	[bflag:$0x2] =	sbarrier.arrive $0xFFFF  }
0x17c: {  	p0 =	sne.s32 s0, $0x0;
	s0 =	rddreg [dreg:$0x7]  }
0x17d: {  	s0 =	sadd.s32 @!p0 $0x100000, s0  }
0x17e: {  	[sflag:s0] =	ssyncadd.tile.s32 @!p0 $0x1;
	_ =	shalt  }
.Lfunc_end2:
_tile_overlayer_lowered:
.L_overlay_start_2:
0x17f: {  	(tag) =	ssettag $0x2  }
0x180: {  	s0 =	rddreg [dreg:$0x0];
	s2 =	stileid.u32  }
0x181: {  	s1 =	rddreg [dreg:$0x1];
	p0 =	sne.s32 s2, $0x0  }
0x182: {  	s3 =	rddreg [dreg:$0x2];
	[bflag:$0x3] =	sbarrier.arrive $0xFFFF;
	s2 =	simm.s32 @!p0 $0x1C11  }
0x183: {  	[timem:s3], [sflag:s2] =	dma.local @!p0 [hbm:s0], s1  }
0x184: {  	s0 =	simm.s32 @!p0 $0x11  }
0x185: {  	_ =	swait.ge @!p0 [sflag:s0], s1  }
0x186: {  	s1 =	ssub.s32 @!p0 $0x0, s1;
	[sflag:s0] =	ssyncset.done @!p0 $0x0  }
0x187: {  	[sflag:s0] =	ssyncadd.s32 @!p0 s1  }
0x188: {  	[bflag:$0x3] =	sbarrier.arrive $0xFFFF  }
0x189: {  	_ =	shalt  }

</sc_bundles>
